<compile_context>
chip_gen: v7x
topology: tpu7x:2x2x1
jax: 0.10.2.dev20260603
libtpu: 0.0.44.dev20260713+nightly
codegen_flags: <defaults>
</compile_context>

<pallas_src>
import jax
import jax.numpy as jnp
from jax import lax
from jax.experimental import pallas as pl
from jax.experimental.pallas import tpu as pltpu
from jax.experimental.pallas import tpu_sc as plsc

_N = 10000
_E = 320000
_D = 128
_NC = 2
_NS = 16
_C = 128
_K = 80
_EPAD = _NC * _NS * _K * _C
_NPAD = 10240
_RPT = _NPAD // _NS
_PAD_SRC = _N
_PAD_DST = _NPAD - 1
_BLK = 512
_GRID = _NPAD // _BLK

_sc_mesh = plsc.VectorSubcoreMesh(core_axis_name="c", subcore_axis_name="s")



def _deg_body(dst_hbm, ones_hbm, zeros_hbm, out_hbm, didx, buf, shared):
    c = lax.axis_index("c")
    s = lax.axis_index("s")
    pltpu.sync_copy(dst_hbm.at[c, s], didx)
    pltpu.sync_copy(zeros_hbm, buf)
    for k in range(_RPT // _C):
        pltpu.sync_copy(buf, shared.at[pl.ds(s * _RPT + k * _C, _C)])
    pltpu.sync_copy(ones_hbm, buf)
    plsc.subcore_barrier()

    def body(j, carry):
        pltpu.sync_copy(buf, shared.at[didx.at[j]], add=True)
        return carry

    lax.fori_loop(0, _K, body, 0)
    plsc.subcore_barrier()
    pltpu.sync_copy(shared.at[pl.ds(s * _RPT, _RPT)],
                    out_hbm.at[c, pl.ds(s * _RPT, _RPT)])


_sc_deg = pl.kernel(
    _deg_body,
    out_type=jax.ShapeDtypeStruct((_NC, _NPAD, _D), jnp.float32),
    mesh=_sc_mesh,
    scratch_types=[
        pltpu.VMEM((_K, _C), jnp.int32),
        pltpu.VMEM((_C, _D), jnp.float32),
        pltpu.VMEM_SHARED((_NPAD, _D), jnp.float32),
    ],
)



_NB = 2
_KH = _K // 2


def _agg_body(src_hbm, dst_hbm, y_hbm, out_hbm, sidx, didx,
              r0, r1, shared, g0, g1):
    c = lax.axis_index("c")
    s = lax.axis_index("s")
    rows = [r0, r1]
    gsem = [g0, g1]
    pltpu.sync_copy(src_hbm.at[c, s], sidx)
    pltpu.sync_copy(y_hbm.at[pl.ds(_NPAD - _C, _C)], r0)
    for k in range(_RPT // _C):
        pltpu.sync_copy(r0, shared.at[pl.ds(s * _RPT + k * _C, _C)])
    plsc.subcore_barrier()

    for b in range(_NB):
        pltpu.async_copy(y_hbm.at[sidx.at[b]], rows[b], gsem[b])

    for p in range(2):
        pltpu.sync_copy(dst_hbm.at[c, s, pl.ds(p * _KH, _KH)], didx)
        n_full = _KH // _NB - (1 if p == 1 else 0)

        def body(t, carry, p=p):
            for b in range(_NB):
                j = t * _NB + b
                g = p * _KH + j
                pltpu.make_async_copy(y_hbm.at[pl.ds(0, _C)], rows[b],
                                      gsem[b]).wait()
                pltpu.sync_copy(rows[b], shared.at[didx.at[j]], add=True)
                pltpu.async_copy(y_hbm.at[sidx.at[g + _NB]], rows[b], gsem[b])
            return carry

        lax.fori_loop(0, n_full, body, 0)

    for b in range(_NB):
        j = _KH - _NB + b
        pltpu.make_async_copy(y_hbm.at[pl.ds(0, _C)], rows[b], gsem[b]).wait()
        pltpu.sync_copy(rows[b], shared.at[didx.at[j]], add=True)
    plsc.subcore_barrier()
    pltpu.sync_copy(shared.at[pl.ds(s * _RPT, _RPT)],
                    out_hbm.at[c, pl.ds(s * _RPT, _RPT)])


_sc_agg = pl.kernel(
    _agg_body,
    out_type=jax.ShapeDtypeStruct((_NC, _NPAD, _D), jnp.float32),
    mesh=_sc_mesh,
    scratch_types=[
        pltpu.VMEM((_K, _C), jnp.int32),
        pltpu.VMEM((_KH, _C), jnp.int32),
        pltpu.VMEM((_C, _D), jnp.float32),
        pltpu.VMEM((_C, _D), jnp.float32),
        pltpu.VMEM_SHARED((_NPAD, _D), jnp.float32),
        pltpu.SemaphoreType.DMA,
        pltpu.SemaphoreType.DMA,
    ],
)



def _mm1_body(x_ref, w_ref, d0_ref, d1_ref, y_ref, dinv_ref):
    i = pl.program_id(0)
    deg = d0_ref[:, 0:1] + d1_ref[:, 0:1] + 1.0
    dinv = lax.rsqrt(deg)
    h = jnp.dot(x_ref[...], w_ref[...], preferred_element_type=jnp.float32)
    rows = i * _BLK + lax.broadcasted_iota(jnp.int32, (_BLK, _D), 0)
    y_ref[...] = jnp.where(rows < _N, h * dinv, 0.0)
    dinv_ref[...] = jnp.broadcast_to(dinv, (_BLK, 8))


def _mm2_body(p0_ref, p1_ref, y_ref, dinv_ref, b_ref, w_ref, y2_ref):
    i = pl.program_id(0)
    dinv = dinv_ref[:, 0:1]
    agg = p0_ref[0] + p1_ref[0] + y_ref[...]
    t = jnp.maximum(agg * dinv + b_ref[...], 0.0)
    h2 = jnp.dot(t, w_ref[...], preferred_element_type=jnp.float32)
    rows = i * _BLK + lax.broadcasted_iota(jnp.int32, (_BLK, _D), 0)
    y2_ref[...] = jnp.where(rows < _N, h2 * dinv, 0.0)


def _fin_body(q0_ref, q1_ref, y2_ref, dinv_ref, b_ref, out_ref):
    dinv = dinv_ref[:, 0:1]
    agg = q0_ref[0] + q1_ref[0] + y2_ref[...]
    out_ref[...] = agg * dinv + b_ref[...]


_row_spec = pl.BlockSpec((_BLK, _D), lambda i: (i, 0))
_deg_spec = pl.BlockSpec((1, _BLK, _D), lambda i: (0, i, 0))
_deg_spec1 = pl.BlockSpec((1, _BLK, _D), lambda i: (1, i, 0))
_w_spec = pl.BlockSpec((_D, _D), lambda i: (0, 0))
_b_spec = pl.BlockSpec((1, _D), lambda i: (0, 0))
_dinv_spec = pl.BlockSpec((_BLK, 8), lambda i: (i, 0))
_p_spec0 = pl.BlockSpec((1, _BLK, _D), lambda i: (0, i, 0))
_p_spec1 = pl.BlockSpec((1, _BLK, _D), lambda i: (1, i, 0))


def _mm1_deg_body(x_ref, w_ref, dp_ref0, dp_ref1, y_ref, dinv_ref):
    i = pl.program_id(0)
    deg = dp_ref0[0, :, 0:1] + dp_ref1[0, :, 0:1] + 1.0
    dinv = lax.rsqrt(deg)
    h = jnp.dot(x_ref[...], w_ref[...], preferred_element_type=jnp.float32)
    rows = i * _BLK + lax.broadcasted_iota(jnp.int32, (_BLK, _D), 0)
    y_ref[...] = jnp.where(rows < _N, h * dinv, 0.0)
    dinv_ref[...] = jnp.broadcast_to(dinv, (_BLK, 8))


_mm1 = pl.pallas_call(
    _mm1_deg_body,
    grid=(_GRID,),
    in_specs=[_row_spec, _w_spec, _deg_spec, _deg_spec1],
    out_specs=[_row_spec, _dinv_spec],
    out_shape=[
        jax.ShapeDtypeStruct((_NPAD, _D), jnp.float32),
        jax.ShapeDtypeStruct((_NPAD, 8), jnp.float32),
    ],
)

_mm2 = pl.pallas_call(
    _mm2_body,
    grid=(_GRID,),
    in_specs=[_p_spec0, _p_spec1, _row_spec, _dinv_spec, _b_spec, _w_spec],
    out_specs=_row_spec,
    out_shape=jax.ShapeDtypeStruct((_NPAD, _D), jnp.float32),
)

_fin = pl.pallas_call(
    _fin_body,
    grid=(_GRID,),
    in_specs=[_p_spec0, _p_spec1, _row_spec, _dinv_spec, _b_spec],
    out_specs=_row_spec,
    out_shape=jax.ShapeDtypeStruct((_NPAD, _D), jnp.float32),
)


@jax.jit
def _run(x, edge_index, W1, b1, W2, b2):
    src = edge_index[0].astype(jnp.int32)
    dst = edge_index[1].astype(jnp.int32)
    pads = jnp.full((_EPAD - _E,), _PAD_SRC, jnp.int32)
    padd = _NPAD - _C + (jnp.arange(_EPAD - _E, dtype=jnp.int32) % _C)
    src_p = (jnp.concatenate([src, pads]).reshape(_NS * _K, _NC, _C)
             .transpose(1, 0, 2).reshape(_NC, _NS, _K, _C))
    dst_p = (jnp.concatenate([dst, padd]).reshape(_NS * _K, _NC, _C)
             .transpose(1, 0, 2).reshape(_NC, _NS, _K, _C))
    x_p = jnp.zeros((_NPAD, _D), jnp.float32).at[:_N].set(x)

    ones_r = jnp.ones((_C, _D), jnp.float32)
    zeros_r = jnp.zeros((_C, _D), jnp.float32)
    degp = _sc_deg(dst_p, ones_r, zeros_r)
    y1, dinv = _mm1(x_p, W1, degp, degp)
    p = _sc_agg(src_p, dst_p, y1)
    y2 = _mm2(p, p, y1, dinv, b1.reshape(1, _D), W2)
    q = _sc_agg(src_p, dst_p, y2)
    out = _fin(q, q, y2, dinv, b2.reshape(1, _D))
    return out[:_N]


def kernel(x, edge_index, W1, b1, W2, b2):
    return _run(x, edge_index, W1, b1, W2, b2)

# --- scband reference (transcript-rebuilt; emitter-appended) ---
"""Pipeline reference for scband-gcn-26431228740293 (READ-ONLY COPY).

The authoritative reference and input builder live on the scoring server;
editing this copy changes nothing except your own understanding.
"""

import jax, jax.numpy as jnp
import numpy as np

N = 10000
E = 320000
D_IN = 128
D_HID = 128
D_OUT = 128


def setup_inputs(seed: int = 0) -> dict:
    key = jax.random.key(seed)
    k1, k2, k3, k4, k5, k6 = jax.random.split(key, 6)
    x = jax.random.normal(k1, (N, D_IN), dtype=jnp.float32)
    edge_index = jax.random.randint(k2, (2, E), 0, N, dtype=jnp.int64)
    s1 = 1.0 / np.sqrt(D_IN)
    s2 = 1.0 / np.sqrt(D_HID)
    W1 = jax.random.uniform(k3, (D_IN, D_HID), dtype=jnp.float32, minval=-s1, maxval=s1)
    b1 = jnp.zeros((D_HID,), dtype=jnp.float32)
    W2 = jax.random.uniform(k4, (D_HID, D_OUT), dtype=jnp.float32, minval=-s2, maxval=s2)
    b2 = jnp.zeros((D_OUT,), dtype=jnp.float32)
    return {"x": x, "edge_index": edge_index, "W1": W1, "b1": b1, "W2": W2, "b2": b2}


def _gcn_conv(x, src, dst, deg_inv_sqrt, W, b, n_nodes):
    # GCNConv: out = D^{-1/2} (A + I) D^{-1/2} X W + b
    norm = deg_inv_sqrt[src] * deg_inv_sqrt[dst]
    h = x @ W
    msg = h[src] * norm[:, None]
    out = jnp.zeros((n_nodes, W.shape[1]), dtype=x.dtype).at[dst].add(msg)
    return out + b


def reference(x, edge_index, W1, b1, W2, b2):
    n_nodes = x.shape[0]
    loop = jnp.arange(n_nodes, dtype=edge_index.dtype)
    src = jnp.concatenate([edge_index[0], loop])
    dst = jnp.concatenate([edge_index[1], loop])
    # symmetric degree normalization with self-loops (edge weight 1)
    deg = jnp.zeros((n_nodes,), dtype=x.dtype).at[dst].add(1.0)
    deg_inv_sqrt = jnp.where(deg > 0, jax.lax.rsqrt(jnp.maximum(deg, 1e-12)), 0.0)
    h = _gcn_conv(x, src, dst, deg_inv_sqrt, W1, b1, n_nodes)
    h = jax.nn.relu(h)
    # dropout with p=0.0 (eval / identity)
    out = _gcn_conv(h, src, dst, deg_inv_sqrt, W2, b2, n_nodes)
    return out

if __name__ == "__main__":
    import jax
    _d = setup_inputs()
    print(jax.jit(kernel)(*tuple(_d.values())))

</pallas_src>

<mosaic_0001>
#map = affine_map<(d0, d1) -> (0, 0, 0, 0)>
#map1 = affine_map<(d0, d1) -> (0, 0)>
#map2 = affine_map<(d0, d1) -> (0, 0, 0)>
module attributes {stable_mosaic.version = 14 : i64} {
  func.func @_deg_body(%arg0: i32, %arg1: i32, %arg2: memref<2x16x80x128xi32, #tpu.memory_space<hbm>>, %arg3: memref<128x128xf32, #tpu.memory_space<hbm>>, %arg4: memref<128x128xf32, #tpu.memory_space<hbm>>, %arg5: memref<2x10240x128xf32, #tpu.memory_space<hbm>>, %arg6: memref<80x128xi32, #tpu.memory_space<vmem>>, %arg7: memref<128x128xf32, #tpu.memory_space<vmem>>, %arg8: memref<10240x128xf32, #tpu.memory_space<vmem_shared>>) attributes {dimension_semantics = [#tpu.dimension_semantics<core_parallel>, #tpu.dimension_semantics<subcore_parallel>], iteration_bounds = array<i64: 2, 16>, scalar_prefetch = 0 : i64, scratch_operands = 3 : i64, tpu.core_type = #tpu.core_type<sc_vector_subcore>, window_params = [{transform_indices = #map}, {transform_indices = #map1}, {transform_indices = #map1}, {transform_indices = #map2}]} {
    "tpu.region"() ({
      %run_scoped3A = tpu.sem_alloc : memref<!tpu.dma_semaphore, #tpu.memory_space<semaphore_mem>>
      %dma_start3A = arith.constant 0 : i32
      %dma_start3A_28 = arith.constant 0 : i32
      %dma_start3A_29 = tpu.memref_slice %arg2[%arg0, %arg1, %dma_start3A, %dma_start3A_28] : memref<2x16x80x128xi32, #tpu.memory_space<hbm>> -> memref<1x1x80x128xi32, #tpu.memory_space<hbm>>
      %dma_start3A_30 = tpu.memref_squeeze %dma_start3A_29 : memref<1x1x80x128xi32, #tpu.memory_space<hbm>> -> memref<80x128xi32, #tpu.memory_space<hbm>>
      %dma_start3A_31 = arith.constant 0 : i32
      %dma_start3A_32 = arith.constant 0 : i32
      %dma_start3A_33 = tpu.memref_slice %arg2[%arg0, %arg1, %dma_start3A_31, %dma_start3A_32] : memref<2x16x80x128xi32, #tpu.memory_space<hbm>> -> memref<1x1x80x128xi32, #tpu.memory_space<hbm>>
      %dma_start3A_34 = tpu.memref_squeeze %dma_start3A_33 : memref<1x1x80x128xi32, #tpu.memory_space<hbm>> -> memref<80x128xi32, #tpu.memory_space<hbm>>
      tpu.enqueue_dma source(%dma_start3A_34 : memref<80x128xi32, #tpu.memory_space<hbm>>) target(%arg6 : memref<80x128xi32, #tpu.memory_space<vmem>>) target_semaphore(%run_scoped3A : memref<!tpu.dma_semaphore, #tpu.memory_space<semaphore_mem>>)
      %dma_wait3A = arith.constant 0 : i32
      %dma_wait3A_35 = arith.constant 0 : i32
      %dma_wait3A_36 = tpu.memref_slice %arg2[%arg0, %arg1, %dma_wait3A, %dma_wait3A_35] : memref<2x16x80x128xi32, #tpu.memory_space<hbm>> -> memref<1x1x80x128xi32, #tpu.memory_space<hbm>>
      %dma_wait3A_37 = tpu.memref_squeeze %dma_wait3A_36 : memref<1x1x80x128xi32, #tpu.memory_space<hbm>> -> memref<80x128xi32, #tpu.memory_space<hbm>>
      %dma_wait3A_38 = arith.constant 0 : i32
      %dma_wait3A_39 = arith.constant 0 : i32
      %dma_wait3A_40 = tpu.memref_slice %arg2[%arg0, %arg1, %dma_wait3A_38, %dma_wait3A_39] : memref<2x16x80x128xi32, #tpu.memory_space<hbm>> -> memref<1x1x80x128xi32, #tpu.memory_space<hbm>>
      %dma_wait3A_41 = tpu.memref_squeeze %dma_wait3A_40 : memref<1x1x80x128xi32, #tpu.memory_space<hbm>> -> memref<80x128xi32, #tpu.memory_space<hbm>>
      tpu.wait_dma2 semaphore(%run_scoped3A : memref<!tpu.dma_semaphore, #tpu.memory_space<semaphore_mem>>) src(%dma_wait3A_41 : memref<80x128xi32, #tpu.memory_space<hbm>>) dst(%arg6 : memref<80x128xi32, #tpu.memory_space<vmem>>)
      tpu.yield
    }) : () -> ()
    "tpu.region"() ({
      %run_scoped3A = tpu.sem_alloc : memref<!tpu.dma_semaphore, #tpu.memory_space<semaphore_mem>>
      tpu.enqueue_dma source(%arg4 : memref<128x128xf32, #tpu.memory_space<hbm>>) target(%arg7 : memref<128x128xf32, #tpu.memory_space<vmem>>) target_semaphore(%run_scoped3A : memref<!tpu.dma_semaphore, #tpu.memory_space<semaphore_mem>>)
      tpu.wait_dma2 semaphore(%run_scoped3A : memref<!tpu.dma_semaphore, #tpu.memory_space<semaphore_mem>>) src(%arg4 : memref<128x128xf32, #tpu.memory_space<hbm>>) dst(%arg7 : memref<128x128xf32, #tpu.memory_space<vmem>>)
      tpu.yield
    }) : () -> ()
    %mul3A = arith.constant 640 : i32
    %mul3A_0 = arith.muli %arg1, %mul3A : i32
    %add3A = arith.constant 0 : i32
    %add3A_1 = arith.addi %mul3A_0, %add3A : i32
    "tpu.region"() ({
      %run_scoped3A = tpu.sem_alloc : memref<!tpu.dma_semaphore, #tpu.memory_space<semaphore_mem>>
      %dma_start3A = arith.constant 0 : i32
      %dma_start3A_28 = tpu.memref_slice %arg8[%add3A_1, %dma_start3A] : memref<10240x128xf32, #tpu.memory_space<vmem_shared>> -> memref<128x128xf32, #tpu.memory_space<vmem_shared>>
      %dma_start3A_29 = arith.constant 0 : i32
      %dma_start3A_30 = tpu.memref_slice %arg8[%add3A_1, %dma_start3A_29] : memref<10240x128xf32, #tpu.memory_space<vmem_shared>> -> memref<128x128xf32, #tpu.memory_space<vmem_shared>>
      tpu.enqueue_dma source(%arg7 : memref<128x128xf32, #tpu.memory_space<vmem>>) target(%dma_start3A_30 : memref<128x128xf32, #tpu.memory_space<vmem_shared>>) target_semaphore(%run_scoped3A : memref<!tpu.dma_semaphore, #tpu.memory_space<semaphore_mem>>)
      %dma_wait3A = arith.constant 0 : i32
      %dma_wait3A_31 = tpu.memref_slice %arg8[%add3A_1, %dma_wait3A] : memref<10240x128xf32, #tpu.memory_space<vmem_shared>> -> memref<128x128xf32, #tpu.memory_space<vmem_shared>>
      %dma_wait3A_32 = arith.constant 0 : i32
      %dma_wait3A_33 = tpu.memref_slice %arg8[%add3A_1, %dma_wait3A_32] : memref<10240x128xf32, #tpu.memory_space<vmem_shared>> -> memref<128x128xf32, #tpu.memory_space<vmem_shared>>
      tpu.wait_dma2 semaphore(%run_scoped3A : memref<!tpu.dma_semaphore, #tpu.memory_space<semaphore_mem>>) src(%arg7 : memref<128x128xf32, #tpu.memory_space<vmem>>) dst(%dma_wait3A_33 : memref<128x128xf32, #tpu.memory_space<vmem_shared>>)
      tpu.yield
    }) : () -> ()
    %mul3A_2 = arith.constant 640 : i32
    %mul3A_3 = arith.muli %arg1, %mul3A_2 : i32
    %add3A_4 = arith.constant 128 : i32
    %add3A_5 = arith.addi %mul3A_3, %add3A_4 : i32
    "tpu.region"() ({
      %run_scoped3A = tpu.sem_alloc : memref<!tpu.dma_semaphore, #tpu.memory_space<semaphore_mem>>
      %dma_start3A = arith.constant 0 : i32
      %dma_start3A_28 = tpu.memref_slice %arg8[%add3A_5, %dma_start3A] : memref<10240x128xf32, #tpu.memory_space<vmem_shared>> -> memref<128x128xf32, #tpu.memory_space<vmem_shared>>
      %dma_start3A_29 = arith.constant 0 : i32
      %dma_start3A_30 = tpu.memref_slice %arg8[%add3A_5, %dma_start3A_29] : memref<10240x128xf32, #tpu.memory_space<vmem_shared>> -> memref<128x128xf32, #tpu.memory_space<vmem_shared>>
      tpu.enqueue_dma source(%arg7 : memref<128x128xf32, #tpu.memory_space<vmem>>) target(%dma_start3A_30 : memref<128x128xf32, #tpu.memory_space<vmem_shared>>) target_semaphore(%run_scoped3A : memref<!tpu.dma_semaphore, #tpu.memory_space<semaphore_mem>>)
      %dma_wait3A = arith.constant 0 : i32
      %dma_wait3A_31 = tpu.memref_slice %arg8[%add3A_5, %dma_wait3A] : memref<10240x128xf32, #tpu.memory_space<vmem_shared>> -> memref<128x128xf32, #tpu.memory_space<vmem_shared>>
      %dma_wait3A_32 = arith.constant 0 : i32
      %dma_wait3A_33 = tpu.memref_slice %arg8[%add3A_5, %dma_wait3A_32] : memref<10240x128xf32, #tpu.memory_space<vmem_shared>> -> memref<128x128xf32, #tpu.memory_space<vmem_shared>>
      tpu.wait_dma2 semaphore(%run_scoped3A : memref<!tpu.dma_semaphore, #tpu.memory_space<semaphore_mem>>) src(%arg7 : memref<128x128xf32, #tpu.memory_space<vmem>>) dst(%dma_wait3A_33 : memref<128x128xf32, #tpu.memory_space<vmem_shared>>)
      tpu.yield
    }) : () -> ()
    %mul3A_6 = arith.constant 640 : i32
    %mul3A_7 = arith.muli %arg1, %mul3A_6 : i32
    %add3A_8 = arith.constant 256 : i32
    %add3A_9 = arith.addi %mul3A_7, %add3A_8 : i32
    "tpu.region"() ({
      %run_scoped3A = tpu.sem_alloc : memref<!tpu.dma_semaphore, #tpu.memory_space<semaphore_mem>>
      %dma_start3A = arith.constant 0 : i32
      %dma_start3A_28 = tpu.memref_slice %arg8[%add3A_9, %dma_start3A] : memref<10240x128xf32, #tpu.memory_space<vmem_shared>> -> memref<128x128xf32, #tpu.memory_space<vmem_shared>>
      %dma_start3A_29 = arith.constant 0 : i32
      %dma_start3A_30 = tpu.memref_slice %arg8[%add3A_9, %dma_start3A_29] : memref<10240x128xf32, #tpu.memory_space<vmem_shared>> -> memref<128x128xf32, #tpu.memory_space<vmem_shared>>
      tpu.enqueue_dma source(%arg7 : memref<128x128xf32, #tpu.memory_space<vmem>>) target(%dma_start3A_30 : memref<128x128xf32, #tpu.memory_space<vmem_shared>>) target_semaphore(%run_scoped3A : memref<!tpu.dma_semaphore, #tpu.memory_space<semaphore_mem>>)
      %dma_wait3A = arith.constant 0 : i32
      %dma_wait3A_31 = tpu.memref_slice %arg8[%add3A_9, %dma_wait3A] : memref<10240x128xf32, #tpu.memory_space<vmem_shared>> -> memref<128x128xf32, #tpu.memory_space<vmem_shared>>
      %dma_wait3A_32 = arith.constant 0 : i32
      %dma_wait3A_33 = tpu.memref_slice %arg8[%add3A_9, %dma_wait3A_32] : memref<10240x128xf32, #tpu.memory_space<vmem_shared>> -> memref<128x128xf32, #tpu.memory_space<vmem_shared>>
      tpu.wait_dma2 semaphore(%run_scoped3A : memref<!tpu.dma_semaphore, #tpu.memory_space<semaphore_mem>>) src(%arg7 : memref<128x128xf32, #tpu.memory_space<vmem>>) dst(%dma_wait3A_33 : memref<128x128xf32, #tpu.memory_space<vmem_shared>>)
      tpu.yield
    }) : () -> ()
    %mul3A_10 = arith.constant 640 : i32
    %mul3A_11 = arith.muli %arg1, %mul3A_10 : i32
    %add3A_12 = arith.constant 384 : i32
    %add3A_13 = arith.addi %mul3A_11, %add3A_12 : i32
    "tpu.region"() ({
      %run_scoped3A = tpu.sem_alloc : memref<!tpu.dma_semaphore, #tpu.memory_space<semaphore_mem>>
      %dma_start3A = arith.constant 0 : i32
      %dma_start3A_28 = tpu.memref_slice %arg8[%add3A_13, %dma_start3A] : memref<10240x128xf32, #tpu.memory_space<vmem_shared>> -> memref<128x128xf32, #tpu.memory_space<vmem_shared>>
      %dma_start3A_29 = arith.constant 0 : i32
      %dma_start3A_30 = tpu.memref_slice %arg8[%add3A_13, %dma_start3A_29] : memref<10240x128xf32, #tpu.memory_space<vmem_shared>> -> memref<128x128xf32, #tpu.memory_space<vmem_shared>>
      tpu.enqueue_dma source(%arg7 : memref<128x128xf32, #tpu.memory_space<vmem>>) target(%dma_start3A_30 : memref<128x128xf32, #tpu.memory_space<vmem_shared>>) target_semaphore(%run_scoped3A : memref<!tpu.dma_semaphore, #tpu.memory_space<semaphore_mem>>)
      %dma_wait3A = arith.constant 0 : i32
      %dma_wait3A_31 = tpu.memref_slice %arg8[%add3A_13, %dma_wait3A] : memref<10240x128xf32, #tpu.memory_space<vmem_shared>> -> memref<128x128xf32, #tpu.memory_space<vmem_shared>>
      %dma_wait3A_32 = arith.constant 0 : i32
      %dma_wait3A_33 = tpu.memref_slice %arg8[%add3A_13, %dma_wait3A_32] : memref<10240x128xf32, #tpu.memory_space<vmem_shared>> -> memref<128x128xf32, #tpu.memory_space<vmem_shared>>
      tpu.wait_dma2 semaphore(%run_scoped3A : memref<!tpu.dma_semaphore, #tpu.memory_space<semaphore_mem>>) src(%arg7 : memref<128x128xf32, #tpu.memory_space<vmem>>) dst(%dma_wait3A_33 : memref<128x128xf32, #tpu.memory_space<vmem_shared>>)
      tpu.yield
    }) : () -> ()
    %mul3A_14 = arith.constant 640 : i32
    %mul3A_15 = arith.muli %arg1, %mul3A_14 : i32
    %add3A_16 = arith.constant 512 : i32
    %add3A_17 = arith.addi %mul3A_15, %add3A_16 : i32
    "tpu.region"() ({
      %run_scoped3A = tpu.sem_alloc : memref<!tpu.dma_semaphore, #tpu.memory_space<semaphore_mem>>
      %dma_start3A = arith.constant 0 : i32
      %dma_start3A_28 = tpu.memref_slice %arg8[%add3A_17, %dma_start3A] : memref<10240x128xf32, #tpu.memory_space<vmem_shared>> -> memref<128x128xf32, #tpu.memory_space<vmem_shared>>
      %dma_start3A_29 = arith.constant 0 : i32
      %dma_start3A_30 = tpu.memref_slice %arg8[%add3A_17, %dma_start3A_29] : memref<10240x128xf32, #tpu.memory_space<vmem_shared>> -> memref<128x128xf32, #tpu.memory_space<vmem_shared>>
      tpu.enqueue_dma source(%arg7 : memref<128x128xf32, #tpu.memory_space<vmem>>) target(%dma_start3A_30 : memref<128x128xf32, #tpu.memory_space<vmem_shared>>) target_semaphore(%run_scoped3A : memref<!tpu.dma_semaphore, #tpu.memory_space<semaphore_mem>>)
      %dma_wait3A = arith.constant 0 : i32
      %dma_wait3A_31 = tpu.memref_slice %arg8[%add3A_17, %dma_wait3A] : memref<10240x128xf32, #tpu.memory_space<vmem_shared>> -> memref<128x128xf32, #tpu.memory_space<vmem_shared>>
      %dma_wait3A_32 = arith.constant 0 : i32
      %dma_wait3A_33 = tpu.memref_slice %arg8[%add3A_17, %dma_wait3A_32] : memref<10240x128xf32, #tpu.memory_space<vmem_shared>> -> memref<128x128xf32, #tpu.memory_space<vmem_shared>>
      tpu.wait_dma2 semaphore(%run_scoped3A : memref<!tpu.dma_semaphore, #tpu.memory_space<semaphore_mem>>) src(%arg7 : memref<128x128xf32, #tpu.memory_space<vmem>>) dst(%dma_wait3A_33 : memref<128x128xf32, #tpu.memory_space<vmem_shared>>)
      tpu.yield
    }) : () -> ()
    "tpu.region"() ({
      %run_scoped3A = tpu.sem_alloc : memref<!tpu.dma_semaphore, #tpu.memory_space<semaphore_mem>>
      tpu.enqueue_dma source(%arg3 : memref<128x128xf32, #tpu.memory_space<hbm>>) target(%arg7 : memref<128x128xf32, #tpu.memory_space<vmem>>) target_semaphore(%run_scoped3A : memref<!tpu.dma_semaphore, #tpu.memory_space<semaphore_mem>>)
      tpu.wait_dma2 semaphore(%run_scoped3A : memref<!tpu.dma_semaphore, #tpu.memory_space<semaphore_mem>>) src(%arg3 : memref<128x128xf32, #tpu.memory_space<hbm>>) dst(%arg7 : memref<128x128xf32, #tpu.memory_space<vmem>>)
      tpu.yield
    }) : () -> ()
    %barrier3A = arith.constant 0 : index
    tpu.barrier barrier_id(%barrier3A)
    %scan3A = arith.constant 0 : i32
    %scan3A_18 = arith.constant 0 : i32
    %scan3A_19 = arith.constant 80 : i32
    %scan3A_20 = arith.addi %scan3A_18, %scan3A_19 : i32
    %scan3A_21 = arith.constant 1 : i32
    scf.for %scan3A_28 = %scan3A_18 to %scan3A_20 step %scan3A_21  : i32 {
      "tpu.region"() ({
        %run_scoped3A = tpu.sem_alloc : memref<!tpu.dma_semaphore, #tpu.memory_space<semaphore_mem>>
        %dma_start3A = arith.constant 0 : i32
        %dma_start3A_29 = tpu.memref_slice %arg6[%scan3A_28, %dma_start3A] : memref<80x128xi32, #tpu.memory_space<vmem>> -> memref<1x128xi32, #tpu.memory_space<vmem>>
        %dma_start3A_30 = tpu.memref_squeeze %dma_start3A_29 : memref<1x128xi32, #tpu.memory_space<vmem>> -> memref<128xi32, #tpu.memory_space<vmem>>
        %dma_start3A_31 = arith.constant 0 : i32
        %dma_start3A_32 = arith.constant 0 : i32
        %dma_start3A_33 = tpu.memref_slice %arg8[%dma_start3A_31, %dma_start3A_32] : memref<10240x128xf32, #tpu.memory_space<vmem_shared>> -> memref<10240x128xf32, #tpu.memory_space<vmem_shared>>
        tpu.enqueue_indirect_dma source(%arg7 : memref<128x128xf32, #tpu.memory_space<vmem>>) target(%dma_start3A_33 : memref<10240x128xf32, #tpu.memory_space<vmem_shared>>) offsets(%dma_start3A_30 : memref<128xi32, #tpu.memory_space<vmem>>) semaphore(%run_scoped3A : memref<!tpu.dma_semaphore, #tpu.memory_space<semaphore_mem>>) {add = true}
        %dma_wait3A = arith.constant 0 : i32
        %dma_wait3A_34 = tpu.memref_slice %arg6[%scan3A_28, %dma_wait3A] : memref<80x128xi32, #tpu.memory_space<vmem>> -> memref<1x128xi32, #tpu.memory_space<vmem>>
        %dma_wait3A_35 = tpu.memref_squeeze %dma_wait3A_34 : memref<1x128xi32, #tpu.memory_space<vmem>> -> memref<128xi32, #tpu.memory_space<vmem>>
        %dma_wait3A_36 = arith.constant 0 : i32
        %dma_wait3A_37 = arith.constant 0 : i32
        %dma_wait3A_38 = tpu.memref_slice %arg8[%dma_wait3A_36, %dma_wait3A_37] : memref<10240x128xf32, #tpu.memory_space<vmem_shared>> -> memref<10240x128xf32, #tpu.memory_space<vmem_shared>>
        tpu.wait_indirect_dma semaphore(%run_scoped3A : memref<!tpu.dma_semaphore, #tpu.memory_space<semaphore_mem>>) src(%arg7 : memref<128x128xf32, #tpu.memory_space<vmem>>) dst(%dma_wait3A_38 : memref<10240x128xf32, #tpu.memory_space<vmem_shared>>)
        tpu.yield
      }) : () -> ()
    }
    %scan3A_22 = arith.constant 80 : i32
    %barrier3A_23 = arith.constant 0 : index
    tpu.barrier barrier_id(%barrier3A_23)
    %mul3A_24 = arith.constant 640 : i32
    %mul3A_25 = arith.muli %arg1, %mul3A_24 : i32
    %mul3A_26 = arith.constant 640 : i32
    %mul3A_27 = arith.muli %arg1, %mul3A_26 : i32
    "tpu.region"() ({
      %run_scoped3A = tpu.sem_alloc : memref<!tpu.dma_semaphore, #tpu.memory_space<semaphore_mem>>
      %dma_start3A = arith.constant 0 : i32
      %dma_start3A_28 = tpu.memref_slice %arg5[%arg0, %mul3A_27, %dma_start3A] : memref<2x10240x128xf32, #tpu.memory_space<hbm>> -> memref<1x640x128xf32, #tpu.memory_space<hbm>>
      %dma_start3A_29 = tpu.memref_squeeze %dma_start3A_28 : memref<1x640x128xf32, #tpu.memory_space<hbm>> -> memref<640x128xf32, #tpu.memory_space<hbm>>
      %dma_start3A_30 = arith.constant 0 : i32
      %dma_start3A_31 = tpu.memref_slice %arg8[%mul3A_25, %dma_start3A_30] : memref<10240x128xf32, #tpu.memory_space<vmem_shared>> -> memref<640x128xf32, #tpu.memory_space<vmem_shared>>
      tpu.enqueue_dma source(%dma_start3A_31 : memref<640x128xf32, #tpu.memory_space<vmem_shared>>) target(%dma_start3A_29 : memref<640x128xf32, #tpu.memory_space<hbm>>) target_semaphore(%run_scoped3A : memref<!tpu.dma_semaphore, #tpu.memory_space<semaphore_mem>>)
      %dma_wait3A = arith.constant 0 : i32
      %dma_wait3A_32 = tpu.memref_slice %arg5[%arg0, %mul3A_27, %dma_wait3A] : memref<2x10240x128xf32, #tpu.memory_space<hbm>> -> memref<1x640x128xf32, #tpu.memory_space<hbm>>
      %dma_wait3A_33 = tpu.memref_squeeze %dma_wait3A_32 : memref<1x640x128xf32, #tpu.memory_space<hbm>> -> memref<640x128xf32, #tpu.memory_space<hbm>>
      %dma_wait3A_34 = arith.constant 0 : i32
      %dma_wait3A_35 = tpu.memref_slice %arg8[%mul3A_25, %dma_wait3A_34] : memref<10240x128xf32, #tpu.memory_space<vmem_shared>> -> memref<640x128xf32, #tpu.memory_space<vmem_shared>>
      tpu.wait_dma2 semaphore(%run_scoped3A : memref<!tpu.dma_semaphore, #tpu.memory_space<semaphore_mem>>) src(%dma_wait3A_35 : memref<640x128xf32, #tpu.memory_space<vmem_shared>>) dst(%dma_wait3A_33 : memref<640x128xf32, #tpu.memory_space<hbm>>)
      tpu.yield
    }) : () -> ()
    return
  }
}

#map = affine_map<(d0, d1) -> (0, 0, 0, 0)>
#map1 = affine_map<(d0, d1) -> (0, 0)>
#map2 = affine_map<(d0, d1) -> (0, 0, 0)>
module attributes {stable_mosaic.version = 14 : i64} {
  func.func @_agg_body(%arg0: i32, %arg1: i32, %arg2: memref<2x16x80x128xi32, #tpu.memory_space<hbm>>, %arg3: memref<2x16x80x128xi32, #tpu.memory_space<hbm>>, %arg4: memref<10240x128xf32, #tpu.memory_space<hbm>>, %arg5: memref<2x10240x128xf32, #tpu.memory_space<hbm>>, %arg6: memref<80x128xi32, #tpu.memory_space<vmem>>, %arg7: memref<40x128xi32, #tpu.memory_space<vmem>>, %arg8: memref<128x128xf32, #tpu.memory_space<vmem>>, %arg9: memref<128x128xf32, #tpu.memory_space<vmem>>, %arg10: memref<10240x128xf32, #tpu.memory_space<vmem_shared>>, %arg11: memref<!tpu.dma_semaphore, #tpu.memory_space<semaphore_mem>>, %arg12: memref<!tpu.dma_semaphore, #tpu.memory_space<semaphore_mem>>) attributes {dimension_semantics = [#tpu.dimension_semantics<core_parallel>, #tpu.dimension_semantics<subcore_parallel>], iteration_bounds = array<i64: 2, 16>, scalar_prefetch = 0 : i64, scratch_operands = 7 : i64, tpu.core_type = #tpu.core_type<sc_vector_subcore>, window_params = [{transform_indices = #map}, {transform_indices = #map}, {transform_indices = #map1}, {transform_indices = #map2}]} {
    "tpu.region"() ({
      %run_scoped3A_59 = tpu.sem_alloc : memref<!tpu.dma_semaphore, #tpu.memory_space<semaphore_mem>>
      %dma_start3A_60 = arith.constant 0 : i32
      %dma_start3A_61 = arith.constant 0 : i32
      %dma_start3A_62 = tpu.memref_slice %arg2[%arg0, %arg1, %dma_start3A_60, %dma_start3A_61] : memref<2x16x80x128xi32, #tpu.memory_space<hbm>> -> memref<1x1x80x128xi32, #tpu.memory_space<hbm>>
      %dma_start3A_63 = tpu.memref_squeeze %dma_start3A_62 : memref<1x1x80x128xi32, #tpu.memory_space<hbm>> -> memref<80x128xi32, #tpu.memory_space<hbm>>
      %dma_start3A_64 = arith.constant 0 : i32
      %dma_start3A_65 = arith.constant 0 : i32
      %dma_start3A_66 = tpu.memref_slice %arg2[%arg0, %arg1, %dma_start3A_64, %dma_start3A_65] : memref<2x16x80x128xi32, #tpu.memory_space<hbm>> -> memref<1x1x80x128xi32, #tpu.memory_space<hbm>>
      %dma_start3A_67 = tpu.memref_squeeze %dma_start3A_66 : memref<1x1x80x128xi32, #tpu.memory_space<hbm>> -> memref<80x128xi32, #tpu.memory_space<hbm>>
      tpu.enqueue_dma source(%dma_start3A_67 : memref<80x128xi32, #tpu.memory_space<hbm>>) target(%arg6 : memref<80x128xi32, #tpu.memory_space<vmem>>) target_semaphore(%run_scoped3A_59 : memref<!tpu.dma_semaphore, #tpu.memory_space<semaphore_mem>>)
      %dma_wait3A_68 = arith.constant 0 : i32
      %dma_wait3A_69 = arith.constant 0 : i32
      %dma_wait3A_70 = tpu.memref_slice %arg2[%arg0, %arg1, %dma_wait3A_68, %dma_wait3A_69] : memref<2x16x80x128xi32, #tpu.memory_space<hbm>> -> memref<1x1x80x128xi32, #tpu.memory_space<hbm>>
      %dma_wait3A_71 = tpu.memref_squeeze %dma_wait3A_70 : memref<1x1x80x128xi32, #tpu.memory_space<hbm>> -> memref<80x128xi32, #tpu.memory_space<hbm>>
      %dma_wait3A_72 = arith.constant 0 : i32
      %dma_wait3A_73 = arith.constant 0 : i32
      %dma_wait3A_74 = tpu.memref_slice %arg2[%arg0, %arg1, %dma_wait3A_72, %dma_wait3A_73] : memref<2x16x80x128xi32, #tpu.memory_space<hbm>> -> memref<1x1x80x128xi32, #tpu.memory_space<hbm>>
      %dma_wait3A_75 = tpu.memref_squeeze %dma_wait3A_74 : memref<1x1x80x128xi32, #tpu.memory_space<hbm>> -> memref<80x128xi32, #tpu.memory_space<hbm>>
      tpu.wait_dma2 semaphore(%run_scoped3A_59 : memref<!tpu.dma_semaphore, #tpu.memory_space<semaphore_mem>>) src(%dma_wait3A_75 : memref<80x128xi32, #tpu.memory_space<hbm>>) dst(%arg6 : memref<80x128xi32, #tpu.memory_space<vmem>>)
      tpu.yield
    }) : () -> ()
    "tpu.region"() ({
      %run_scoped3A_59 = tpu.sem_alloc : memref<!tpu.dma_semaphore, #tpu.memory_space<semaphore_mem>>
      %dma_start3A_60 = arith.constant 10112 : i32
      %dma_start3A_61 = arith.constant 0 : i32
      %dma_start3A_62 = tpu.memref_slice %arg4[%dma_start3A_60, %dma_start3A_61] : memref<10240x128xf32, #tpu.memory_space<hbm>> -> memref<128x128xf32, #tpu.memory_space<hbm>>
      %dma_start3A_63 = arith.constant 10112 : i32
      %dma_start3A_64 = arith.constant 0 : i32
      %dma_start3A_65 = tpu.memref_slice %arg4[%dma_start3A_63, %dma_start3A_64] : memref<10240x128xf32, #tpu.memory_space<hbm>> -> memref<128x128xf32, #tpu.memory_space<hbm>>
      tpu.enqueue_dma source(%dma_start3A_65 : memref<128x128xf32, #tpu.memory_space<hbm>>) target(%arg8 : memref<128x128xf32, #tpu.memory_space<vmem>>) target_semaphore(%run_scoped3A_59 : memref<!tpu.dma_semaphore, #tpu.memory_space<semaphore_mem>>)
      %dma_wait3A_66 = arith.constant 10112 : i32
      %dma_wait3A_67 = arith.constant 0 : i32
      %dma_wait3A_68 = tpu.memref_slice %arg4[%dma_wait3A_66, %dma_wait3A_67] : memref<10240x128xf32, #tpu.memory_space<hbm>> -> memref<128x128xf32, #tpu.memory_space<hbm>>
      %dma_wait3A_69 = arith.constant 10112 : i32
      %dma_wait3A_70 = arith.constant 0 : i32
      %dma_wait3A_71 = tpu.memref_slice %arg4[%dma_wait3A_69, %dma_wait3A_70] : memref<10240x128xf32, #tpu.memory_space<hbm>> -> memref<128x128xf32, #tpu.memory_space<hbm>>
      tpu.wait_dma2 semaphore(%run_scoped3A_59 : memref<!tpu.dma_semaphore, #tpu.memory_space<semaphore_mem>>) src(%dma_wait3A_71 : memref<128x128xf32, #tpu.memory_space<hbm>>) dst(%arg8 : memref<128x128xf32, #tpu.memory_space<vmem>>)
      tpu.yield
    }) : () -> ()
    %mul3A = arith.constant 640 : i32
    %mul3A_0 = arith.muli %arg1, %mul3A : i32
    %add3A = arith.constant 0 : i32
    %add3A_1 = arith.addi %mul3A_0, %add3A : i32
    "tpu.region"() ({
      %run_scoped3A_59 = tpu.sem_alloc : memref<!tpu.dma_semaphore, #tpu.memory_space<semaphore_mem>>
      %dma_start3A_60 = arith.constant 0 : i32
      %dma_start3A_61 = tpu.memref_slice %arg10[%add3A_1, %dma_start3A_60] : memref<10240x128xf32, #tpu.memory_space<vmem_shared>> -> memref<128x128xf32, #tpu.memory_space<vmem_shared>>
      %dma_start3A_62 = arith.constant 0 : i32
      %dma_start3A_63 = tpu.memref_slice %arg10[%add3A_1, %dma_start3A_62] : memref<10240x128xf32, #tpu.memory_space<vmem_shared>> -> memref<128x128xf32, #tpu.memory_space<vmem_shared>>
      tpu.enqueue_dma source(%arg8 : memref<128x128xf32, #tpu.memory_space<vmem>>) target(%dma_start3A_63 : memref<128x128xf32, #tpu.memory_space<vmem_shared>>) target_semaphore(%run_scoped3A_59 : memref<!tpu.dma_semaphore, #tpu.memory_space<semaphore_mem>>)
      %dma_wait3A_64 = arith.constant 0 : i32
      %dma_wait3A_65 = tpu.memref_slice %arg10[%add3A_1, %dma_wait3A_64] : memref<10240x128xf32, #tpu.memory_space<vmem_shared>> -> memref<128x128xf32, #tpu.memory_space<vmem_shared>>
      %dma_wait3A_66 = arith.constant 0 : i32
      %dma_wait3A_67 = tpu.memref_slice %arg10[%add3A_1, %dma_wait3A_66] : memref<10240x128xf32, #tpu.memory_space<vmem_shared>> -> memref<128x128xf32, #tpu.memory_space<vmem_shared>>
      tpu.wait_dma2 semaphore(%run_scoped3A_59 : memref<!tpu.dma_semaphore, #tpu.memory_space<semaphore_mem>>) src(%arg8 : memref<128x128xf32, #tpu.memory_space<vmem>>) dst(%dma_wait3A_67 : memref<128x128xf32, #tpu.memory_space<vmem_shared>>)
      tpu.yield
    }) : () -> ()
    %mul3A_2 = arith.constant 640 : i32
    %mul3A_3 = arith.muli %arg1, %mul3A_2 : i32
    %add3A_4 = arith.constant 128 : i32
    %add3A_5 = arith.addi %mul3A_3, %add3A_4 : i32
    "tpu.region"() ({
      %run_scoped3A_59 = tpu.sem_alloc : memref<!tpu.dma_semaphore, #tpu.memory_space<semaphore_mem>>
      %dma_start3A_60 = arith.constant 0 : i32
      %dma_start3A_61 = tpu.memref_slice %arg10[%add3A_5, %dma_start3A_60] : memref<10240x128xf32, #tpu.memory_space<vmem_shared>> -> memref<128x128xf32, #tpu.memory_space<vmem_shared>>
      %dma_start3A_62 = arith.constant 0 : i32
      %dma_start3A_63 = tpu.memref_slice %arg10[%add3A_5, %dma_start3A_62] : memref<10240x128xf32, #tpu.memory_space<vmem_shared>> -> memref<128x128xf32, #tpu.memory_space<vmem_shared>>
      tpu.enqueue_dma source(%arg8 : memref<128x128xf32, #tpu.memory_space<vmem>>) target(%dma_start3A_63 : memref<128x128xf32, #tpu.memory_space<vmem_shared>>) target_semaphore(%run_scoped3A_59 : memref<!tpu.dma_semaphore, #tpu.memory_space<semaphore_mem>>)
      %dma_wait3A_64 = arith.constant 0 : i32
      %dma_wait3A_65 = tpu.memref_slice %arg10[%add3A_5, %dma_wait3A_64] : memref<10240x128xf32, #tpu.memory_space<vmem_shared>> -> memref<128x128xf32, #tpu.memory_space<vmem_shared>>
      %dma_wait3A_66 = arith.constant 0 : i32
      %dma_wait3A_67 = tpu.memref_slice %arg10[%add3A_5, %dma_wait3A_66] : memref<10240x128xf32, #tpu.memory_space<vmem_shared>> -> memref<128x128xf32, #tpu.memory_space<vmem_shared>>
      tpu.wait_dma2 semaphore(%run_scoped3A_59 : memref<!tpu.dma_semaphore, #tpu.memory_space<semaphore_mem>>) src(%arg8 : memref<128x128xf32, #tpu.memory_space<vmem>>) dst(%dma_wait3A_67 : memref<128x128xf32, #tpu.memory_space<vmem_shared>>)
      tpu.yield
    }) : () -> ()
    %mul3A_6 = arith.constant 640 : i32
    %mul3A_7 = arith.muli %arg1, %mul3A_6 : i32
    %add3A_8 = arith.constant 256 : i32
    %add3A_9 = arith.addi %mul3A_7, %add3A_8 : i32
    "tpu.region"() ({
      %run_scoped3A_59 = tpu.sem_alloc : memref<!tpu.dma_semaphore, #tpu.memory_space<semaphore_mem>>
      %dma_start3A_60 = arith.constant 0 : i32
      %dma_start3A_61 = tpu.memref_slice %arg10[%add3A_9, %dma_start3A_60] : memref<10240x128xf32, #tpu.memory_space<vmem_shared>> -> memref<128x128xf32, #tpu.memory_space<vmem_shared>>
      %dma_start3A_62 = arith.constant 0 : i32
      %dma_start3A_63 = tpu.memref_slice %arg10[%add3A_9, %dma_start3A_62] : memref<10240x128xf32, #tpu.memory_space<vmem_shared>> -> memref<128x128xf32, #tpu.memory_space<vmem_shared>>
      tpu.enqueue_dma source(%arg8 : memref<128x128xf32, #tpu.memory_space<vmem>>) target(%dma_start3A_63 : memref<128x128xf32, #tpu.memory_space<vmem_shared>>) target_semaphore(%run_scoped3A_59 : memref<!tpu.dma_semaphore, #tpu.memory_space<semaphore_mem>>)
      %dma_wait3A_64 = arith.constant 0 : i32
      %dma_wait3A_65 = tpu.memref_slice %arg10[%add3A_9, %dma_wait3A_64] : memref<10240x128xf32, #tpu.memory_space<vmem_shared>> -> memref<128x128xf32, #tpu.memory_space<vmem_shared>>
      %dma_wait3A_66 = arith.constant 0 : i32
      %dma_wait3A_67 = tpu.memref_slice %arg10[%add3A_9, %dma_wait3A_66] : memref<10240x128xf32, #tpu.memory_space<vmem_shared>> -> memref<128x128xf32, #tpu.memory_space<vmem_shared>>
      tpu.wait_dma2 semaphore(%run_scoped3A_59 : memref<!tpu.dma_semaphore, #tpu.memory_space<semaphore_mem>>) src(%arg8 : memref<128x128xf32, #tpu.memory_space<vmem>>) dst(%dma_wait3A_67 : memref<128x128xf32, #tpu.memory_space<vmem_shared>>)
      tpu.yield
    }) : () -> ()
    %mul3A_10 = arith.constant 640 : i32
    %mul3A_11 = arith.muli %arg1, %mul3A_10 : i32
    %add3A_12 = arith.constant 384 : i32
    %add3A_13 = arith.addi %mul3A_11, %add3A_12 : i32
    "tpu.region"() ({
      %run_scoped3A_59 = tpu.sem_alloc : memref<!tpu.dma_semaphore, #tpu.memory_space<semaphore_mem>>
      %dma_start3A_60 = arith.constant 0 : i32
      %dma_start3A_61 = tpu.memref_slice %arg10[%add3A_13, %dma_start3A_60] : memref<10240x128xf32, #tpu.memory_space<vmem_shared>> -> memref<128x128xf32, #tpu.memory_space<vmem_shared>>
      %dma_start3A_62 = arith.constant 0 : i32
      %dma_start3A_63 = tpu.memref_slice %arg10[%add3A_13, %dma_start3A_62] : memref<10240x128xf32, #tpu.memory_space<vmem_shared>> -> memref<128x128xf32, #tpu.memory_space<vmem_shared>>
      tpu.enqueue_dma source(%arg8 : memref<128x128xf32, #tpu.memory_space<vmem>>) target(%dma_start3A_63 : memref<128x128xf32, #tpu.memory_space<vmem_shared>>) target_semaphore(%run_scoped3A_59 : memref<!tpu.dma_semaphore, #tpu.memory_space<semaphore_mem>>)
      %dma_wait3A_64 = arith.constant 0 : i32
      %dma_wait3A_65 = tpu.memref_slice %arg10[%add3A_13, %dma_wait3A_64] : memref<10240x128xf32, #tpu.memory_space<vmem_shared>> -> memref<128x128xf32, #tpu.memory_space<vmem_shared>>
      %dma_wait3A_66 = arith.constant 0 : i32
      %dma_wait3A_67 = tpu.memref_slice %arg10[%add3A_13, %dma_wait3A_66] : memref<10240x128xf32, #tpu.memory_space<vmem_shared>> -> memref<128x128xf32, #tpu.memory_space<vmem_shared>>
      tpu.wait_dma2 semaphore(%run_scoped3A_59 : memref<!tpu.dma_semaphore, #tpu.memory_space<semaphore_mem>>) src(%arg8 : memref<128x128xf32, #tpu.memory_space<vmem>>) dst(%dma_wait3A_67 : memref<128x128xf32, #tpu.memory_space<vmem_shared>>)
      tpu.yield
    }) : () -> ()
    %mul3A_14 = arith.constant 640 : i32
    %mul3A_15 = arith.muli %arg1, %mul3A_14 : i32
    %add3A_16 = arith.constant 512 : i32
    %add3A_17 = arith.addi %mul3A_15, %add3A_16 : i32
    "tpu.region"() ({
      %run_scoped3A_59 = tpu.sem_alloc : memref<!tpu.dma_semaphore, #tpu.memory_space<semaphore_mem>>
      %dma_start3A_60 = arith.constant 0 : i32
      %dma_start3A_61 = tpu.memref_slice %arg10[%add3A_17, %dma_start3A_60] : memref<10240x128xf32, #tpu.memory_space<vmem_shared>> -> memref<128x128xf32, #tpu.memory_space<vmem_shared>>
      %dma_start3A_62 = arith.constant 0 : i32
      %dma_start3A_63 = tpu.memref_slice %arg10[%add3A_17, %dma_start3A_62] : memref<10240x128xf32, #tpu.memory_space<vmem_shared>> -> memref<128x128xf32, #tpu.memory_space<vmem_shared>>
      tpu.enqueue_dma source(%arg8 : memref<128x128xf32, #tpu.memory_space<vmem>>) target(%dma_start3A_63 : memref<128x128xf32, #tpu.memory_space<vmem_shared>>) target_semaphore(%run_scoped3A_59 : memref<!tpu.dma_semaphore, #tpu.memory_space<semaphore_mem>>)
      %dma_wait3A_64 = arith.constant 0 : i32
      %dma_wait3A_65 = tpu.memref_slice %arg10[%add3A_17, %dma_wait3A_64] : memref<10240x128xf32, #tpu.memory_space<vmem_shared>> -> memref<128x128xf32, #tpu.memory_space<vmem_shared>>
      %dma_wait3A_66 = arith.constant 0 : i32
      %dma_wait3A_67 = tpu.memref_slice %arg10[%add3A_17, %dma_wait3A_66] : memref<10240x128xf32, #tpu.memory_space<vmem_shared>> -> memref<128x128xf32, #tpu.memory_space<vmem_shared>>
      tpu.wait_dma2 semaphore(%run_scoped3A_59 : memref<!tpu.dma_semaphore, #tpu.memory_space<semaphore_mem>>) src(%arg8 : memref<128x128xf32, #tpu.memory_space<vmem>>) dst(%dma_wait3A_67 : memref<128x128xf32, #tpu.memory_space<vmem_shared>>)
      tpu.yield
    }) : () -> ()
    %barrier3A = arith.constant 0 : index
    tpu.barrier barrier_id(%barrier3A)
    %dma_start3A = arith.constant 0 : i32
    %dma_start3A_18 = arith.constant 0 : i32
    %dma_start3A_19 = tpu.memref_slice %arg6[%dma_start3A, %dma_start3A_18] : memref<80x128xi32, #tpu.memory_space<vmem>> -> memref<1x128xi32, #tpu.memory_space<vmem>>
    %dma_start3A_20 = tpu.memref_squeeze %dma_start3A_19 : memref<1x128xi32, #tpu.memory_space<vmem>> -> memref<128xi32, #tpu.memory_space<vmem>>
    %dma_start3A_21 = arith.constant 0 : i32
    %dma_start3A_22 = arith.constant 0 : i32
    %dma_start3A_23 = tpu.memref_slice %arg4[%dma_start3A_21, %dma_start3A_22] : memref<10240x128xf32, #tpu.memory_space<hbm>> -> memref<10240x128xf32, #tpu.memory_space<hbm>>
    tpu.enqueue_indirect_dma source(%dma_start3A_23 : memref<10240x128xf32, #tpu.memory_space<hbm>>) target(%arg8 : memref<128x128xf32, #tpu.memory_space<vmem>>) offsets(%dma_start3A_20 : memref<128xi32, #tpu.memory_space<vmem>>) semaphore(%arg11 : memref<!tpu.dma_semaphore, #tpu.memory_space<semaphore_mem>>)
    %dma_start3A_24 = arith.constant 1 : i32
    %dma_start3A_25 = arith.constant 0 : i32
    %dma_start3A_26 = tpu.memref_slice %arg6[%dma_start3A_24, %dma_start3A_25] : memref<80x128xi32, #tpu.memory_space<vmem>> -> memref<1x128xi32, #tpu.memory_space<vmem>>
    %dma_start3A_27 = tpu.memref_squeeze %dma_start3A_26 : memref<1x128xi32, #tpu.memory_space<vmem>> -> memref<128xi32, #tpu.memory_space<vmem>>
    %dma_start3A_28 = arith.constant 0 : i32
    %dma_start3A_29 = arith.constant 0 : i32
    %dma_start3A_30 = tpu.memref_slice %arg4[%dma_start3A_28, %dma_start3A_29] : memref<10240x128xf32, #tpu.memory_space<hbm>> -> memref<10240x128xf32, #tpu.memory_space<hbm>>
    tpu.enqueue_indirect_dma source(%dma_start3A_30 : memref<10240x128xf32, #tpu.memory_space<hbm>>) target(%arg9 : memref<128x128xf32, #tpu.memory_space<vmem>>) offsets(%dma_start3A_27 : memref<128xi32, #tpu.memory_space<vmem>>) semaphore(%arg12 : memref<!tpu.dma_semaphore, #tpu.memory_space<semaphore_mem>>)
    "tpu.region"() ({
      %run_scoped3A_59 = tpu.sem_alloc : memref<!tpu.dma_semaphore, #tpu.memory_space<semaphore_mem>>
      %dma_start3A_60 = arith.constant 0 : i32
      %dma_start3A_61 = arith.constant 0 : i32
      %dma_start3A_62 = tpu.memref_slice %arg3[%arg0, %arg1, %dma_start3A_60, %dma_start3A_61] : memref<2x16x80x128xi32, #tpu.memory_space<hbm>> -> memref<1x1x40x128xi32, #tpu.memory_space<hbm>>
      %dma_start3A_63 = tpu.memref_squeeze %dma_start3A_62 : memref<1x1x40x128xi32, #tpu.memory_space<hbm>> -> memref<40x128xi32, #tpu.memory_space<hbm>>
      %dma_start3A_64 = arith.constant 0 : i32
      %dma_start3A_65 = arith.constant 0 : i32
      %dma_start3A_66 = tpu.memref_slice %arg3[%arg0, %arg1, %dma_start3A_64, %dma_start3A_65] : memref<2x16x80x128xi32, #tpu.memory_space<hbm>> -> memref<1x1x40x128xi32, #tpu.memory_space<hbm>>
      %dma_start3A_67 = tpu.memref_squeeze %dma_start3A_66 : memref<1x1x40x128xi32, #tpu.memory_space<hbm>> -> memref<40x128xi32, #tpu.memory_space<hbm>>
      tpu.enqueue_dma source(%dma_start3A_67 : memref<40x128xi32, #tpu.memory_space<hbm>>) target(%arg7 : memref<40x128xi32, #tpu.memory_space<vmem>>) target_semaphore(%run_scoped3A_59 : memref<!tpu.dma_semaphore, #tpu.memory_space<semaphore_mem>>)
      %dma_wait3A_68 = arith.constant 0 : i32
      %dma_wait3A_69 = arith.constant 0 : i32
      %dma_wait3A_70 = tpu.memref_slice %arg3[%arg0, %arg1, %dma_wait3A_68, %dma_wait3A_69] : memref<2x16x80x128xi32, #tpu.memory_space<hbm>> -> memref<1x1x40x128xi32, #tpu.memory_space<hbm>>
      %dma_wait3A_71 = tpu.memref_squeeze %dma_wait3A_70 : memref<1x1x40x128xi32, #tpu.memory_space<hbm>> -> memref<40x128xi32, #tpu.memory_space<hbm>>
      %dma_wait3A_72 = arith.constant 0 : i32
      %dma_wait3A_73 = arith.constant 0 : i32
      %dma_wait3A_74 = tpu.memref_slice %arg3[%arg0, %arg1, %dma_wait3A_72, %dma_wait3A_73] : memref<2x16x80x128xi32, #tpu.memory_space<hbm>> -> memref<1x1x40x128xi32, #tpu.memory_space<hbm>>
      %dma_wait3A_75 = tpu.memref_squeeze %dma_wait3A_74 : memref<1x1x40x128xi32, #tpu.memory_space<hbm>> -> memref<40x128xi32, #tpu.memory_space<hbm>>
      tpu.wait_dma2 semaphore(%run_scoped3A_59 : memref<!tpu.dma_semaphore, #tpu.memory_space<semaphore_mem>>) src(%dma_wait3A_75 : memref<40x128xi32, #tpu.memory_space<hbm>>) dst(%arg7 : memref<40x128xi32, #tpu.memory_space<vmem>>)
      tpu.yield
    }) : () -> ()
    %scan3A = arith.constant 0 : i32
    %scan3A_31 = arith.constant 0 : i32
    %scan3A_32 = arith.constant 20 : i32
    %scan3A_33 = arith.addi %scan3A_31, %scan3A_32 : i32
    %scan3A_34 = arith.constant 1 : i32
    scf.for %scan3A_59 = %scan3A_31 to %scan3A_33 step %scan3A_34  : i32 {
      %mul3A_60 = arith.constant 2 : i32
      %mul3A_61 = arith.muli %scan3A_59, %mul3A_60 : i32
      %add3A_62 = arith.constant 0 : i32
      %add3A_63 = arith.addi %mul3A_61, %add3A_62 : i32
      %add3A_64 = arith.constant 0 : i32
      %add3A_65 = arith.addi %add3A_64, %add3A_63 : i32
      %dma_wait3A_66 = arith.constant 0 : i32
      %dma_wait3A_67 = arith.constant 0 : i32
      %dma_wait3A_68 = tpu.memref_slice %arg4[%dma_wait3A_66, %dma_wait3A_67] : memref<10240x128xf32, #tpu.memory_space<hbm>> -> memref<128x128xf32, #tpu.memory_space<hbm>>
      %dma_wait3A_69 = arith.constant 0 : i32
      %dma_wait3A_70 = arith.constant 0 : i32
      %dma_wait3A_71 = tpu.memref_slice %arg4[%dma_wait3A_69, %dma_wait3A_70] : memref<10240x128xf32, #tpu.memory_space<hbm>> -> memref<128x128xf32, #tpu.memory_space<hbm>>
      tpu.wait_dma2 semaphore(%arg11 : memref<!tpu.dma_semaphore, #tpu.memory_space<semaphore_mem>>) src(%dma_wait3A_71 : memref<128x128xf32, #tpu.memory_space<hbm>>) dst(%arg8 : memref<128x128xf32, #tpu.memory_space<vmem>>)
      "tpu.region"() ({
        %run_scoped3A_100 = tpu.sem_alloc : memref<!tpu.dma_semaphore, #tpu.memory_space<semaphore_mem>>
        %dma_start3A_101 = arith.constant 0 : i32
        %dma_start3A_102 = tpu.memref_slice %arg7[%add3A_63, %dma_start3A_101] : memref<40x128xi32, #tpu.memory_space<vmem>> -> memref<1x128xi32, #tpu.memory_space<vmem>>
        %dma_start3A_103 = tpu.memref_squeeze %dma_start3A_102 : memref<1x128xi32, #tpu.memory_space<vmem>> -> memref<128xi32, #tpu.memory_space<vmem>>
        %dma_start3A_104 = arith.constant 0 : i32
        %dma_start3A_105 = arith.constant 0 : i32
        %dma_start3A_106 = tpu.memref_slice %arg10[%dma_start3A_104, %dma_start3A_105] : memref<10240x128xf32, #tpu.memory_space<vmem_shared>> -> memref<10240x128xf32, #tpu.memory_space<vmem_shared>>
        tpu.enqueue_indirect_dma source(%arg8 : memref<128x128xf32, #tpu.memory_space<vmem>>) target(%dma_start3A_106 : memref<10240x128xf32, #tpu.memory_space<vmem_shared>>) offsets(%dma_start3A_103 : memref<128xi32, #tpu.memory_space<vmem>>) semaphore(%run_scoped3A_100 : memref<!tpu.dma_semaphore, #tpu.memory_space<semaphore_mem>>) {add = true}
        %dma_wait3A_107 = arith.constant 0 : i32
        %dma_wait3A_108 = tpu.memref_slice %arg7[%add3A_63, %dma_wait3A_107] : memref<40x128xi32, #tpu.memory_space<vmem>> -> memref<1x128xi32, #tpu.memory_space<vmem>>
        %dma_wait3A_109 = tpu.memref_squeeze %dma_wait3A_108 : memref<1x128xi32, #tpu.memory_space<vmem>> -> memref<128xi32, #tpu.memory_space<vmem>>
        %dma_wait3A_110 = arith.constant 0 : i32
        %dma_wait3A_111 = arith.constant 0 : i32
        %dma_wait3A_112 = tpu.memref_slice %arg10[%dma_wait3A_110, %dma_wait3A_111] : memref<10240x128xf32, #tpu.memory_space<vmem_shared>> -> memref<10240x128xf32, #tpu.memory_space<vmem_shared>>
        tpu.wait_indirect_dma semaphore(%run_scoped3A_100 : memref<!tpu.dma_semaphore, #tpu.memory_space<semaphore_mem>>) src(%arg8 : memref<128x128xf32, #tpu.memory_space<vmem>>) dst(%dma_wait3A_112 : memref<10240x128xf32, #tpu.memory_space<vmem_shared>>)
        tpu.yield
      }) : () -> ()
      %add3A_72 = arith.constant 2 : i32
      %add3A_73 = arith.addi %add3A_65, %add3A_72 : i32
      %dma_start3A_74 = arith.constant 0 : i32
      %dma_start3A_75 = tpu.memref_slice %arg6[%add3A_73, %dma_start3A_74] : memref<80x128xi32, #tpu.memory_space<vmem>> -> memref<1x128xi32, #tpu.memory_space<vmem>>
      %dma_start3A_76 = tpu.memref_squeeze %dma_start3A_75 : memref<1x128xi32, #tpu.memory_space<vmem>> -> memref<128xi32, #tpu.memory_space<vmem>>
      %dma_start3A_77 = arith.constant 0 : i32
      %dma_start3A_78 = arith.constant 0 : i32
      %dma_start3A_79 = tpu.memref_slice %arg4[%dma_start3A_77, %dma_start3A_78] : memref<10240x128xf32, #tpu.memory_space<hbm>> -> memref<10240x128xf32, #tpu.memory_space<hbm>>
      tpu.enqueue_indirect_dma source(%dma_start3A_79 : memref<10240x128xf32, #tpu.memory_space<hbm>>) target(%arg8 : memref<128x128xf32, #tpu.memory_space<vmem>>) offsets(%dma_start3A_76 : memref<128xi32, #tpu.memory_space<vmem>>) semaphore(%arg11 : memref<!tpu.dma_semaphore, #tpu.memory_space<semaphore_mem>>)
      %mul3A_80 = arith.constant 2 : i32
      %mul3A_81 = arith.muli %scan3A_59, %mul3A_80 : i32
      %add3A_82 = arith.constant 1 : i32
      %add3A_83 = arith.addi %mul3A_81, %add3A_82 : i32
      %add3A_84 = arith.constant 0 : i32
      %add3A_85 = arith.addi %add3A_84, %add3A_83 : i32
      %dma_wait3A_86 = arith.constant 0 : i32
      %dma_wait3A_87 = arith.constant 0 : i32
      %dma_wait3A_88 = tpu.memref_slice %arg4[%dma_wait3A_86, %dma_wait3A_87] : memref<10240x128xf32, #tpu.memory_space<hbm>> -> memref<128x128xf32, #tpu.memory_space<hbm>>
      %dma_wait3A_89 = arith.constant 0 : i32
      %dma_wait3A_90 = arith.constant 0 : i32
      %dma_wait3A_91 = tpu.memref_slice %arg4[%dma_wait3A_89, %dma_wait3A_90] : memref<10240x128xf32, #tpu.memory_space<hbm>> -> memref<128x128xf32, #tpu.memory_space<hbm>>
      tpu.wait_dma2 semaphore(%arg12 : memref<!tpu.dma_semaphore, #tpu.memory_space<semaphore_mem>>) src(%dma_wait3A_91 : memref<128x128xf32, #tpu.memory_space<hbm>>) dst(%arg9 : memref<128x128xf32, #tpu.memory_space<vmem>>)
      "tpu.region"() ({
        %run_scoped3A_100 = tpu.sem_alloc : memref<!tpu.dma_semaphore, #tpu.memory_space<semaphore_mem>>
        %dma_start3A_101 = arith.constant 0 : i32
        %dma_start3A_102 = tpu.memref_slice %arg7[%add3A_83, %dma_start3A_101] : memref<40x128xi32, #tpu.memory_space<vmem>> -> memref<1x128xi32, #tpu.memory_space<vmem>>
        %dma_start3A_103 = tpu.memref_squeeze %dma_start3A_102 : memref<1x128xi32, #tpu.memory_space<vmem>> -> memref<128xi32, #tpu.memory_space<vmem>>
        %dma_start3A_104 = arith.constant 0 : i32
        %dma_start3A_105 = arith.constant 0 : i32
        %dma_start3A_106 = tpu.memref_slice %arg10[%dma_start3A_104, %dma_start3A_105] : memref<10240x128xf32, #tpu.memory_space<vmem_shared>> -> memref<10240x128xf32, #tpu.memory_space<vmem_shared>>
        tpu.enqueue_indirect_dma source(%arg9 : memref<128x128xf32, #tpu.memory_space<vmem>>) target(%dma_start3A_106 : memref<10240x128xf32, #tpu.memory_space<vmem_shared>>) offsets(%dma_start3A_103 : memref<128xi32, #tpu.memory_space<vmem>>) semaphore(%run_scoped3A_100 : memref<!tpu.dma_semaphore, #tpu.memory_space<semaphore_mem>>) {add = true}
        %dma_wait3A_107 = arith.constant 0 : i32
        %dma_wait3A_108 = tpu.memref_slice %arg7[%add3A_83, %dma_wait3A_107] : memref<40x128xi32, #tpu.memory_space<vmem>> -> memref<1x128xi32, #tpu.memory_space<vmem>>
        %dma_wait3A_109 = tpu.memref_squeeze %dma_wait3A_108 : memref<1x128xi32, #tpu.memory_space<vmem>> -> memref<128xi32, #tpu.memory_space<vmem>>
        %dma_wait3A_110 = arith.constant 0 : i32
        %dma_wait3A_111 = arith.constant 0 : i32
        %dma_wait3A_112 = tpu.memref_slice %arg10[%dma_wait3A_110, %dma_wait3A_111] : memref<10240x128xf32, #tpu.memory_space<vmem_shared>> -> memref<10240x128xf32, #tpu.memory_space<vmem_shared>>
        tpu.wait_indirect_dma semaphore(%run_scoped3A_100 : memref<!tpu.dma_semaphore, #tpu.memory_space<semaphore_mem>>) src(%arg9 : memref<128x128xf32, #tpu.memory_space<vmem>>) dst(%dma_wait3A_112 : memref<10240x128xf32, #tpu.memory_space<vmem_shared>>)
        tpu.yield
      }) : () -> ()
      %add3A_92 = arith.constant 2 : i32
      %add3A_93 = arith.addi %add3A_85, %add3A_92 : i32
      %dma_start3A_94 = arith.constant 0 : i32
      %dma_start3A_95 = tpu.memref_slice %arg6[%add3A_93, %dma_start3A_94] : memref<80x128xi32, #tpu.memory_space<vmem>> -> memref<1x128xi32, #tpu.memory_space<vmem>>
      %dma_start3A_96 = tpu.memref_squeeze %dma_start3A_95 : memref<1x128xi32, #tpu.memory_space<vmem>> -> memref<128xi32, #tpu.memory_space<vmem>>
      %dma_start3A_97 = arith.constant 0 : i32
      %dma_start3A_98 = arith.constant 0 : i32
      %dma_start3A_99 = tpu.memref_slice %arg4[%dma_start3A_97, %dma_start3A_98] : memref<10240x128xf32, #tpu.memory_space<hbm>> -> memref<10240x128xf32, #tpu.memory_space<hbm>>
      tpu.enqueue_indirect_dma source(%dma_start3A_99 : memref<10240x128xf32, #tpu.memory_space<hbm>>) target(%arg9 : memref<128x128xf32, #tpu.memory_space<vmem>>) offsets(%dma_start3A_96 : memref<128xi32, #tpu.memory_space<vmem>>) semaphore(%arg12 : memref<!tpu.dma_semaphore, #tpu.memory_space<semaphore_mem>>)
    }
    %scan3A_35 = arith.constant 20 : i32
    "tpu.region"() ({
      %run_scoped3A_59 = tpu.sem_alloc : memref<!tpu.dma_semaphore, #tpu.memory_space<semaphore_mem>>
      %dma_start3A_60 = arith.constant 40 : i32
      %dma_start3A_61 = arith.constant 0 : i32
      %dma_start3A_62 = tpu.memref_slice %arg3[%arg0, %arg1, %dma_start3A_60, %dma_start3A_61] : memref<2x16x80x128xi32, #tpu.memory_space<hbm>> -> memref<1x1x40x128xi32, #tpu.memory_space<hbm>>
      %dma_start3A_63 = tpu.memref_squeeze %dma_start3A_62 : memref<1x1x40x128xi32, #tpu.memory_space<hbm>> -> memref<40x128xi32, #tpu.memory_space<hbm>>
      %dma_start3A_64 = arith.constant 40 : i32
      %dma_start3A_65 = arith.constant 0 : i32
      %dma_start3A_66 = tpu.memref_slice %arg3[%arg0, %arg1, %dma_start3A_64, %dma_start3A_65] : memref<2x16x80x128xi32, #tpu.memory_space<hbm>> -> memref<1x1x40x128xi32, #tpu.memory_space<hbm>>
      %dma_start3A_67 = tpu.memref_squeeze %dma_start3A_66 : memref<1x1x40x128xi32, #tpu.memory_space<hbm>> -> memref<40x128xi32, #tpu.memory_space<hbm>>
      tpu.enqueue_dma source(%dma_start3A_67 : memref<40x128xi32, #tpu.memory_space<hbm>>) target(%arg7 : memref<40x128xi32, #tpu.memory_space<vmem>>) target_semaphore(%run_scoped3A_59 : memref<!tpu.dma_semaphore, #tpu.memory_space<semaphore_mem>>)
      %dma_wait3A_68 = arith.constant 40 : i32
      %dma_wait3A_69 = arith.constant 0 : i32
      %dma_wait3A_70 = tpu.memref_slice %arg3[%arg0, %arg1, %dma_wait3A_68, %dma_wait3A_69] : memref<2x16x80x128xi32, #tpu.memory_space<hbm>> -> memref<1x1x40x128xi32, #tpu.memory_space<hbm>>
      %dma_wait3A_71 = tpu.memref_squeeze %dma_wait3A_70 : memref<1x1x40x128xi32, #tpu.memory_space<hbm>> -> memref<40x128xi32, #tpu.memory_space<hbm>>
      %dma_wait3A_72 = arith.constant 40 : i32
      %dma_wait3A_73 = arith.constant 0 : i32
      %dma_wait3A_74 = tpu.memref_slice %arg3[%arg0, %arg1, %dma_wait3A_72, %dma_wait3A_73] : memref<2x16x80x128xi32, #tpu.memory_space<hbm>> -> memref<1x1x40x128xi32, #tpu.memory_space<hbm>>
      %dma_wait3A_75 = tpu.memref_squeeze %dma_wait3A_74 : memref<1x1x40x128xi32, #tpu.memory_space<hbm>> -> memref<40x128xi32, #tpu.memory_space<hbm>>
      tpu.wait_dma2 semaphore(%run_scoped3A_59 : memref<!tpu.dma_semaphore, #tpu.memory_space<semaphore_mem>>) src(%dma_wait3A_75 : memref<40x128xi32, #tpu.memory_space<hbm>>) dst(%arg7 : memref<40x128xi32, #tpu.memory_space<vmem>>)
      tpu.yield
    }) : () -> ()
    %scan3A_36 = arith.constant 0 : i32
    %scan3A_37 = arith.constant 0 : i32
    %scan3A_38 = arith.constant 19 : i32
    %scan3A_39 = arith.addi %scan3A_37, %scan3A_38 : i32
    %scan3A_40 = arith.constant 1 : i32
    scf.for %scan3A_59 = %scan3A_37 to %scan3A_39 step %scan3A_40  : i32 {
      %mul3A_60 = arith.constant 2 : i32
      %mul3A_61 = arith.muli %scan3A_59, %mul3A_60 : i32
      %add3A_62 = arith.constant 0 : i32
      %add3A_63 = arith.addi %mul3A_61, %add3A_62 : i32
      %add3A_64 = arith.constant 40 : i32
      %add3A_65 = arith.addi %add3A_64, %add3A_63 : i32
      %dma_wait3A_66 = arith.constant 0 : i32
      %dma_wait3A_67 = arith.constant 0 : i32
      %dma_wait3A_68 = tpu.memref_slice %arg4[%dma_wait3A_66, %dma_wait3A_67] : memref<10240x128xf32, #tpu.memory_space<hbm>> -> memref<128x128xf32, #tpu.memory_space<hbm>>
      %dma_wait3A_69 = arith.constant 0 : i32
      %dma_wait3A_70 = arith.constant 0 : i32
      %dma_wait3A_71 = tpu.memref_slice %arg4[%dma_wait3A_69, %dma_wait3A_70] : memref<10240x128xf32, #tpu.memory_space<hbm>> -> memref<128x128xf32, #tpu.memory_space<hbm>>
      tpu.wait_dma2 semaphore(%arg11 : memref<!tpu.dma_semaphore, #tpu.memory_space<semaphore_mem>>) src(%dma_wait3A_71 : memref<128x128xf32, #tpu.memory_space<hbm>>) dst(%arg8 : memref<128x128xf32, #tpu.memory_space<vmem>>)
      "tpu.region"() ({
        %run_scoped3A_100 = tpu.sem_alloc : memref<!tpu.dma_semaphore, #tpu.memory_space<semaphore_mem>>
        %dma_start3A_101 = arith.constant 0 : i32
        %dma_start3A_102 = tpu.memref_slice %arg7[%add3A_63, %dma_start3A_101] : memref<40x128xi32, #tpu.memory_space<vmem>> -> memref<1x128xi32, #tpu.memory_space<vmem>>
        %dma_start3A_103 = tpu.memref_squeeze %dma_start3A_102 : memref<1x128xi32, #tpu.memory_space<vmem>> -> memref<128xi32, #tpu.memory_space<vmem>>
        %dma_start3A_104 = arith.constant 0 : i32
        %dma_start3A_105 = arith.constant 0 : i32
        %dma_start3A_106 = tpu.memref_slice %arg10[%dma_start3A_104, %dma_start3A_105] : memref<10240x128xf32, #tpu.memory_space<vmem_shared>> -> memref<10240x128xf32, #tpu.memory_space<vmem_shared>>
        tpu.enqueue_indirect_dma source(%arg8 : memref<128x128xf32, #tpu.memory_space<vmem>>) target(%dma_start3A_106 : memref<10240x128xf32, #tpu.memory_space<vmem_shared>>) offsets(%dma_start3A_103 : memref<128xi32, #tpu.memory_space<vmem>>) semaphore(%run_scoped3A_100 : memref<!tpu.dma_semaphore, #tpu.memory_space<semaphore_mem>>) {add = true}
        %dma_wait3A_107 = arith.constant 0 : i32
        %dma_wait3A_108 = tpu.memref_slice %arg7[%add3A_63, %dma_wait3A_107] : memref<40x128xi32, #tpu.memory_space<vmem>> -> memref<1x128xi32, #tpu.memory_space<vmem>>
        %dma_wait3A_109 = tpu.memref_squeeze %dma_wait3A_108 : memref<1x128xi32, #tpu.memory_space<vmem>> -> memref<128xi32, #tpu.memory_space<vmem>>
        %dma_wait3A_110 = arith.constant 0 : i32
        %dma_wait3A_111 = arith.constant 0 : i32
        %dma_wait3A_112 = tpu.memref_slice %arg10[%dma_wait3A_110, %dma_wait3A_111] : memref<10240x128xf32, #tpu.memory_space<vmem_shared>> -> memref<10240x128xf32, #tpu.memory_space<vmem_shared>>
        tpu.wait_indirect_dma semaphore(%run_scoped3A_100 : memref<!tpu.dma_semaphore, #tpu.memory_space<semaphore_mem>>) src(%arg8 : memref<128x128xf32, #tpu.memory_space<vmem>>) dst(%dma_wait3A_112 : memref<10240x128xf32, #tpu.memory_space<vmem_shared>>)
        tpu.yield
      }) : () -> ()
      %add3A_72 = arith.constant 2 : i32
      %add3A_73 = arith.addi %add3A_65, %add3A_72 : i32
      %dma_start3A_74 = arith.constant 0 : i32
      %dma_start3A_75 = tpu.memref_slice %arg6[%add3A_73, %dma_start3A_74] : memref<80x128xi32, #tpu.memory_space<vmem>> -> memref<1x128xi32, #tpu.memory_space<vmem>>
      %dma_start3A_76 = tpu.memref_squeeze %dma_start3A_75 : memref<1x128xi32, #tpu.memory_space<vmem>> -> memref<128xi32, #tpu.memory_space<vmem>>
      %dma_start3A_77 = arith.constant 0 : i32
      %dma_start3A_78 = arith.constant 0 : i32
      %dma_start3A_79 = tpu.memref_slice %arg4[%dma_start3A_77, %dma_start3A_78] : memref<10240x128xf32, #tpu.memory_space<hbm>> -> memref<10240x128xf32, #tpu.memory_space<hbm>>
      tpu.enqueue_indirect_dma source(%dma_start3A_79 : memref<10240x128xf32, #tpu.memory_space<hbm>>) target(%arg8 : memref<128x128xf32, #tpu.memory_space<vmem>>) offsets(%dma_start3A_76 : memref<128xi32, #tpu.memory_space<vmem>>) semaphore(%arg11 : memref<!tpu.dma_semaphore, #tpu.memory_space<semaphore_mem>>)
      %mul3A_80 = arith.constant 2 : i32
      %mul3A_81 = arith.muli %scan3A_59, %mul3A_80 : i32
      %add3A_82 = arith.constant 1 : i32
      %add3A_83 = arith.addi %mul3A_81, %add3A_82 : i32
      %add3A_84 = arith.constant 40 : i32
      %add3A_85 = arith.addi %add3A_84, %add3A_83 : i32
      %dma_wait3A_86 = arith.constant 0 : i32
      %dma_wait3A_87 = arith.constant 0 : i32
      %dma_wait3A_88 = tpu.memref_slice %arg4[%dma_wait3A_86, %dma_wait3A_87] : memref<10240x128xf32, #tpu.memory_space<hbm>> -> memref<128x128xf32, #tpu.memory_space<hbm>>
      %dma_wait3A_89 = arith.constant 0 : i32
      %dma_wait3A_90 = arith.constant 0 : i32
      %dma_wait3A_91 = tpu.memref_slice %arg4[%dma_wait3A_89, %dma_wait3A_90] : memref<10240x128xf32, #tpu.memory_space<hbm>> -> memref<128x128xf32, #tpu.memory_space<hbm>>
      tpu.wait_dma2 semaphore(%arg12 : memref<!tpu.dma_semaphore, #tpu.memory_space<semaphore_mem>>) src(%dma_wait3A_91 : memref<128x128xf32, #tpu.memory_space<hbm>>) dst(%arg9 : memref<128x128xf32, #tpu.memory_space<vmem>>)
      "tpu.region"() ({
        %run_scoped3A_100 = tpu.sem_alloc : memref<!tpu.dma_semaphore, #tpu.memory_space<semaphore_mem>>
        %dma_start3A_101 = arith.constant 0 : i32
        %dma_start3A_102 = tpu.memref_slice %arg7[%add3A_83, %dma_start3A_101] : memref<40x128xi32, #tpu.memory_space<vmem>> -> memref<1x128xi32, #tpu.memory_space<vmem>>
        %dma_start3A_103 = tpu.memref_squeeze %dma_start3A_102 : memref<1x128xi32, #tpu.memory_space<vmem>> -> memref<128xi32, #tpu.memory_space<vmem>>
        %dma_start3A_104 = arith.constant 0 : i32
        %dma_start3A_105 = arith.constant 0 : i32
        %dma_start3A_106 = tpu.memref_slice %arg10[%dma_start3A_104, %dma_start3A_105] : memref<10240x128xf32, #tpu.memory_space<vmem_shared>> -> memref<10240x128xf32, #tpu.memory_space<vmem_shared>>
        tpu.enqueue_indirect_dma source(%arg9 : memref<128x128xf32, #tpu.memory_space<vmem>>) target(%dma_start3A_106 : memref<10240x128xf32, #tpu.memory_space<vmem_shared>>) offsets(%dma_start3A_103 : memref<128xi32, #tpu.memory_space<vmem>>) semaphore(%run_scoped3A_100 : memref<!tpu.dma_semaphore, #tpu.memory_space<semaphore_mem>>) {add = true}
        %dma_wait3A_107 = arith.constant 0 : i32
        %dma_wait3A_108 = tpu.memref_slice %arg7[%add3A_83, %dma_wait3A_107] : memref<40x128xi32, #tpu.memory_space<vmem>> -> memref<1x128xi32, #tpu.memory_space<vmem>>
        %dma_wait3A_109 = tpu.memref_squeeze %dma_wait3A_108 : memref<1x128xi32, #tpu.memory_space<vmem>> -> memref<128xi32, #tpu.memory_space<vmem>>
        %dma_wait3A_110 = arith.constant 0 : i32
        %dma_wait3A_111 = arith.constant 0 : i32
        %dma_wait3A_112 = tpu.memref_slice %arg10[%dma_wait3A_110, %dma_wait3A_111] : memref<10240x128xf32, #tpu.memory_space<vmem_shared>> -> memref<10240x128xf32, #tpu.memory_space<vmem_shared>>
        tpu.wait_indirect_dma semaphore(%run_scoped3A_100 : memref<!tpu.dma_semaphore, #tpu.memory_space<semaphore_mem>>) src(%arg9 : memref<128x128xf32, #tpu.memory_space<vmem>>) dst(%dma_wait3A_112 : memref<10240x128xf32, #tpu.memory_space<vmem_shared>>)
        tpu.yield
      }) : () -> ()
      %add3A_92 = arith.constant 2 : i32
      %add3A_93 = arith.addi %add3A_85, %add3A_92 : i32
      %dma_start3A_94 = arith.constant 0 : i32
      %dma_start3A_95 = tpu.memref_slice %arg6[%add3A_93, %dma_start3A_94] : memref<80x128xi32, #tpu.memory_space<vmem>> -> memref<1x128xi32, #tpu.memory_space<vmem>>
      %dma_start3A_96 = tpu.memref_squeeze %dma_start3A_95 : memref<1x128xi32, #tpu.memory_space<vmem>> -> memref<128xi32, #tpu.memory_space<vmem>>
      %dma_start3A_97 = arith.constant 0 : i32
      %dma_start3A_98 = arith.constant 0 : i32
      %dma_start3A_99 = tpu.memref_slice %arg4[%dma_start3A_97, %dma_start3A_98] : memref<10240x128xf32, #tpu.memory_space<hbm>> -> memref<10240x128xf32, #tpu.memory_space<hbm>>
      tpu.enqueue_indirect_dma source(%dma_start3A_99 : memref<10240x128xf32, #tpu.memory_space<hbm>>) target(%arg9 : memref<128x128xf32, #tpu.memory_space<vmem>>) offsets(%dma_start3A_96 : memref<128xi32, #tpu.memory_space<vmem>>) semaphore(%arg12 : memref<!tpu.dma_semaphore, #tpu.memory_space<semaphore_mem>>)
    }
    %scan3A_41 = arith.constant 19 : i32
    %dma_wait3A = arith.constant 0 : i32
    %dma_wait3A_42 = arith.constant 0 : i32
    %dma_wait3A_43 = tpu.memref_slice %arg4[%dma_wait3A, %dma_wait3A_42] : memref<10240x128xf32, #tpu.memory_space<hbm>> -> memref<128x128xf32, #tpu.memory_space<hbm>>
    %dma_wait3A_44 = arith.constant 0 : i32
    %dma_wait3A_45 = arith.constant 0 : i32
    %dma_wait3A_46 = tpu.memref_slice %arg4[%dma_wait3A_44, %dma_wait3A_45] : memref<10240x128xf32, #tpu.memory_space<hbm>> -> memref<128x128xf32, #tpu.memory_space<hbm>>
    tpu.wait_dma2 semaphore(%arg11 : memref<!tpu.dma_semaphore, #tpu.memory_space<semaphore_mem>>) src(%dma_wait3A_46 : memref<128x128xf32, #tpu.memory_space<hbm>>) dst(%arg8 : memref<128x128xf32, #tpu.memory_space<vmem>>)
    %run_scoped3A = arith.constant 38 : i32
    "tpu.region"() ({
      %run_scoped3A_59 = tpu.sem_alloc : memref<!tpu.dma_semaphore, #tpu.memory_space<semaphore_mem>>
      %dma_start3A_60 = arith.constant 0 : i32
      %dma_start3A_61 = tpu.memref_slice %arg7[%run_scoped3A, %dma_start3A_60] : memref<40x128xi32, #tpu.memory_space<vmem>> -> memref<1x128xi32, #tpu.memory_space<vmem>>
      %dma_start3A_62 = tpu.memref_squeeze %dma_start3A_61 : memref<1x128xi32, #tpu.memory_space<vmem>> -> memref<128xi32, #tpu.memory_space<vmem>>
      %dma_start3A_63 = arith.constant 0 : i32
      %dma_start3A_64 = arith.constant 0 : i32
      %dma_start3A_65 = tpu.memref_slice %arg10[%dma_start3A_63, %dma_start3A_64] : memref<10240x128xf32, #tpu.memory_space<vmem_shared>> -> memref<10240x128xf32, #tpu.memory_space<vmem_shared>>
      tpu.enqueue_indirect_dma source(%arg8 : memref<128x128xf32, #tpu.memory_space<vmem>>) target(%dma_start3A_65 : memref<10240x128xf32, #tpu.memory_space<vmem_shared>>) offsets(%dma_start3A_62 : memref<128xi32, #tpu.memory_space<vmem>>) semaphore(%run_scoped3A_59 : memref<!tpu.dma_semaphore, #tpu.memory_space<semaphore_mem>>) {add = true}
      %dma_wait3A_66 = arith.constant 0 : i32
      %dma_wait3A_67 = tpu.memref_slice %arg7[%run_scoped3A, %dma_wait3A_66] : memref<40x128xi32, #tpu.memory_space<vmem>> -> memref<1x128xi32, #tpu.memory_space<vmem>>
      %dma_wait3A_68 = tpu.memref_squeeze %dma_wait3A_67 : memref<1x128xi32, #tpu.memory_space<vmem>> -> memref<128xi32, #tpu.memory_space<vmem>>
      %dma_wait3A_69 = arith.constant 0 : i32
      %dma_wait3A_70 = arith.constant 0 : i32
      %dma_wait3A_71 = tpu.memref_slice %arg10[%dma_wait3A_69, %dma_wait3A_70] : memref<10240x128xf32, #tpu.memory_space<vmem_shared>> -> memref<10240x128xf32, #tpu.memory_space<vmem_shared>>
      tpu.wait_indirect_dma semaphore(%run_scoped3A_59 : memref<!tpu.dma_semaphore, #tpu.memory_space<semaphore_mem>>) src(%arg8 : memref<128x128xf32, #tpu.memory_space<vmem>>) dst(%dma_wait3A_71 : memref<10240x128xf32, #tpu.memory_space<vmem_shared>>)
      tpu.yield
    }) : () -> ()
    %dma_wait3A_47 = arith.constant 0 : i32
    %dma_wait3A_48 = arith.constant 0 : i32
    %dma_wait3A_49 = tpu.memref_slice %arg4[%dma_wait3A_47, %dma_wait3A_48] : memref<10240x128xf32, #tpu.memory_space<hbm>> -> memref<128x128xf32, #tpu.memory_space<hbm>>
    %dma_wait3A_50 = arith.constant 0 : i32
    %dma_wait3A_51 = arith.constant 0 : i32
    %dma_wait3A_52 = tpu.memref_slice %arg4[%dma_wait3A_50, %dma_wait3A_51] : memref<10240x128xf32, #tpu.memory_space<hbm>> -> memref<128x128xf32, #tpu.memory_space<hbm>>
    tpu.wait_dma2 semaphore(%arg12 : memref<!tpu.dma_semaphore, #tpu.memory_space<semaphore_mem>>) src(%dma_wait3A_52 : memref<128x128xf32, #tpu.memory_space<hbm>>) dst(%arg9 : memref<128x128xf32, #tpu.memory_space<vmem>>)
    %run_scoped3A_53 = arith.constant 39 : i32
    "tpu.region"() ({
      %run_scoped3A_59 = tpu.sem_alloc : memref<!tpu.dma_semaphore, #tpu.memory_space<semaphore_mem>>
      %dma_start3A_60 = arith.constant 0 : i32
      %dma_start3A_61 = tpu.memref_slice %arg7[%run_scoped3A_53, %dma_start3A_60] : memref<40x128xi32, #tpu.memory_space<vmem>> -> memref<1x128xi32, #tpu.memory_space<vmem>>
      %dma_start3A_62 = tpu.memref_squeeze %dma_start3A_61 : memref<1x128xi32, #tpu.memory_space<vmem>> -> memref<128xi32, #tpu.memory_space<vmem>>
      %dma_start3A_63 = arith.constant 0 : i32
      %dma_start3A_64 = arith.constant 0 : i32
      %dma_start3A_65 = tpu.memref_slice %arg10[%dma_start3A_63, %dma_start3A_64] : memref<10240x128xf32, #tpu.memory_space<vmem_shared>> -> memref<10240x128xf32, #tpu.memory_space<vmem_shared>>
      tpu.enqueue_indirect_dma source(%arg9 : memref<128x128xf32, #tpu.memory_space<vmem>>) target(%dma_start3A_65 : memref<10240x128xf32, #tpu.memory_space<vmem_shared>>) offsets(%dma_start3A_62 : memref<128xi32, #tpu.memory_space<vmem>>) semaphore(%run_scoped3A_59 : memref<!tpu.dma_semaphore, #tpu.memory_space<semaphore_mem>>) {add = true}
      %dma_wait3A_66 = arith.constant 0 : i32
      %dma_wait3A_67 = tpu.memref_slice %arg7[%run_scoped3A_53, %dma_wait3A_66] : memref<40x128xi32, #tpu.memory_space<vmem>> -> memref<1x128xi32, #tpu.memory_space<vmem>>
      %dma_wait3A_68 = tpu.memref_squeeze %dma_wait3A_67 : memref<1x128xi32, #tpu.memory_space<vmem>> -> memref<128xi32, #tpu.memory_space<vmem>>
      %dma_wait3A_69 = arith.constant 0 : i32
      %dma_wait3A_70 = arith.constant 0 : i32
      %dma_wait3A_71 = tpu.memref_slice %arg10[%dma_wait3A_69, %dma_wait3A_70] : memref<10240x128xf32, #tpu.memory_space<vmem_shared>> -> memref<10240x128xf32, #tpu.memory_space<vmem_shared>>
      tpu.wait_indirect_dma semaphore(%run_scoped3A_59 : memref<!tpu.dma_semaphore, #tpu.memory_space<semaphore_mem>>) src(%arg9 : memref<128x128xf32, #tpu.memory_space<vmem>>) dst(%dma_wait3A_71 : memref<10240x128xf32, #tpu.memory_space<vmem_shared>>)
      tpu.yield
    }) : () -> ()
    %barrier3A_54 = arith.constant 0 : index
    tpu.barrier barrier_id(%barrier3A_54)
    %mul3A_55 = arith.constant 640 : i32
    %mul3A_56 = arith.muli %arg1, %mul3A_55 : i32
    %mul3A_57 = arith.constant 640 : i32
    %mul3A_58 = arith.muli %arg1, %mul3A_57 : i32
    "tpu.region"() ({
      %run_scoped3A_59 = tpu.sem_alloc : memref<!tpu.dma_semaphore, #tpu.memory_space<semaphore_mem>>
      %dma_start3A_60 = arith.constant 0 : i32
      %dma_start3A_61 = tpu.memref_slice %arg5[%arg0, %mul3A_58, %dma_start3A_60] : memref<2x10240x128xf32, #tpu.memory_space<hbm>> -> memref<1x640x128xf32, #tpu.memory_space<hbm>>
      %dma_start3A_62 = tpu.memref_squeeze %dma_start3A_61 : memref<1x640x128xf32, #tpu.memory_space<hbm>> -> memref<640x128xf32, #tpu.memory_space<hbm>>
      %dma_start3A_63 = arith.constant 0 : i32
      %dma_start3A_64 = tpu.memref_slice %arg10[%mul3A_56, %dma_start3A_63] : memref<10240x128xf32, #tpu.memory_space<vmem_shared>> -> memref<640x128xf32, #tpu.memory_space<vmem_shared>>
      tpu.enqueue_dma source(%dma_start3A_64 : memref<640x128xf32, #tpu.memory_space<vmem_shared>>) target(%dma_start3A_62 : memref<640x128xf32, #tpu.memory_space<hbm>>) target_semaphore(%run_scoped3A_59 : memref<!tpu.dma_semaphore, #tpu.memory_space<semaphore_mem>>)
      %dma_wait3A_65 = arith.constant 0 : i32
      %dma_wait3A_66 = tpu.memref_slice %arg5[%arg0, %mul3A_58, %dma_wait3A_65] : memref<2x10240x128xf32, #tpu.memory_space<hbm>> -> memref<1x640x128xf32, #tpu.memory_space<hbm>>
      %dma_wait3A_67 = tpu.memref_squeeze %dma_wait3A_66 : memref<1x640x128xf32, #tpu.memory_space<hbm>> -> memref<640x128xf32, #tpu.memory_space<hbm>>
      %dma_wait3A_68 = arith.constant 0 : i32
      %dma_wait3A_69 = tpu.memref_slice %arg10[%mul3A_56, %dma_wait3A_68] : memref<10240x128xf32, #tpu.memory_space<vmem_shared>> -> memref<640x128xf32, #tpu.memory_space<vmem_shared>>
      tpu.wait_dma2 semaphore(%run_scoped3A_59 : memref<!tpu.dma_semaphore, #tpu.memory_space<semaphore_mem>>) src(%dma_wait3A_69 : memref<640x128xf32, #tpu.memory_space<vmem_shared>>) dst(%dma_wait3A_67 : memref<640x128xf32, #tpu.memory_space<hbm>>)
      tpu.yield
    }) : () -> ()
    return
  }
}

#map = affine_map<(d0, d1) -> (0, 0, 0, 0)>
#map1 = affine_map<(d0, d1) -> (0, 0)>
#map2 = affine_map<(d0, d1) -> (0, 0, 0)>
module attributes {stable_mosaic.version = 14 : i64} {
  func.func @_agg_body(%arg0: i32, %arg1: i32, %arg2: memref<2x16x80x128xi32, #tpu.memory_space<hbm>>, %arg3: memref<2x16x80x128xi32, #tpu.memory_space<hbm>>, %arg4: memref<10240x128xf32, #tpu.memory_space<hbm>>, %arg5: memref<2x10240x128xf32, #tpu.memory_space<hbm>>, %arg6: memref<80x128xi32, #tpu.memory_space<vmem>>, %arg7: memref<40x128xi32, #tpu.memory_space<vmem>>, %arg8: memref<128x128xf32, #tpu.memory_space<vmem>>, %arg9: memref<128x128xf32, #tpu.memory_space<vmem>>, %arg10: memref<10240x128xf32, #tpu.memory_space<vmem_shared>>, %arg11: memref<!tpu.dma_semaphore, #tpu.memory_space<semaphore_mem>>, %arg12: memref<!tpu.dma_semaphore, #tpu.memory_space<semaphore_mem>>) attributes {dimension_semantics = [#tpu.dimension_semantics<core_parallel>, #tpu.dimension_semantics<subcore_parallel>], iteration_bounds = array<i64: 2, 16>, scalar_prefetch = 0 : i64, scratch_operands = 7 : i64, tpu.core_type = #tpu.core_type<sc_vector_subcore>, window_params = [{transform_indices = #map}, {transform_indices = #map}, {transform_indices = #map1}, {transform_indices = #map2}]} {
    "tpu.region"() ({
      %run_scoped3A_59 = tpu.sem_alloc : memref<!tpu.dma_semaphore, #tpu.memory_space<semaphore_mem>>
      %dma_start3A_60 = arith.constant 0 : i32
      %dma_start3A_61 = arith.constant 0 : i32
      %dma_start3A_62 = tpu.memref_slice %arg2[%arg0, %arg1, %dma_start3A_60, %dma_start3A_61] : memref<2x16x80x128xi32, #tpu.memory_space<hbm>> -> memref<1x1x80x128xi32, #tpu.memory_space<hbm>>
      %dma_start3A_63 = tpu.memref_squeeze %dma_start3A_62 : memref<1x1x80x128xi32, #tpu.memory_space<hbm>> -> memref<80x128xi32, #tpu.memory_space<hbm>>
      %dma_start3A_64 = arith.constant 0 : i32
      %dma_start3A_65 = arith.constant 0 : i32
      %dma_start3A_66 = tpu.memref_slice %arg2[%arg0, %arg1, %dma_start3A_64, %dma_start3A_65] : memref<2x16x80x128xi32, #tpu.memory_space<hbm>> -> memref<1x1x80x128xi32, #tpu.memory_space<hbm>>
      %dma_start3A_67 = tpu.memref_squeeze %dma_start3A_66 : memref<1x1x80x128xi32, #tpu.memory_space<hbm>> -> memref<80x128xi32, #tpu.memory_space<hbm>>
      tpu.enqueue_dma source(%dma_start3A_67 : memref<80x128xi32, #tpu.memory_space<hbm>>) target(%arg6 : memref<80x128xi32, #tpu.memory_space<vmem>>) target_semaphore(%run_scoped3A_59 : memref<!tpu.dma_semaphore, #tpu.memory_space<semaphore_mem>>)
      %dma_wait3A_68 = arith.constant 0 : i32
      %dma_wait3A_69 = arith.constant 0 : i32
      %dma_wait3A_70 = tpu.memref_slice %arg2[%arg0, %arg1, %dma_wait3A_68, %dma_wait3A_69] : memref<2x16x80x128xi32, #tpu.memory_space<hbm>> -> memref<1x1x80x128xi32, #tpu.memory_space<hbm>>
      %dma_wait3A_71 = tpu.memref_squeeze %dma_wait3A_70 : memref<1x1x80x128xi32, #tpu.memory_space<hbm>> -> memref<80x128xi32, #tpu.memory_space<hbm>>
      %dma_wait3A_72 = arith.constant 0 : i32
      %dma_wait3A_73 = arith.constant 0 : i32
      %dma_wait3A_74 = tpu.memref_slice %arg2[%arg0, %arg1, %dma_wait3A_72, %dma_wait3A_73] : memref<2x16x80x128xi32, #tpu.memory_space<hbm>> -> memref<1x1x80x128xi32, #tpu.memory_space<hbm>>
      %dma_wait3A_75 = tpu.memref_squeeze %dma_wait3A_74 : memref<1x1x80x128xi32, #tpu.memory_space<hbm>> -> memref<80x128xi32, #tpu.memory_space<hbm>>
      tpu.wait_dma2 semaphore(%run_scoped3A_59 : memref<!tpu.dma_semaphore, #tpu.memory_space<semaphore_mem>>) src(%dma_wait3A_75 : memref<80x128xi32, #tpu.memory_space<hbm>>) dst(%arg6 : memref<80x128xi32, #tpu.memory_space<vmem>>)
      tpu.yield
    }) : () -> ()
    "tpu.region"() ({
      %run_scoped3A_59 = tpu.sem_alloc : memref<!tpu.dma_semaphore, #tpu.memory_space<semaphore_mem>>
      %dma_start3A_60 = arith.constant 10112 : i32
      %dma_start3A_61 = arith.constant 0 : i32
      %dma_start3A_62 = tpu.memref_slice %arg4[%dma_start3A_60, %dma_start3A_61] : memref<10240x128xf32, #tpu.memory_space<hbm>> -> memref<128x128xf32, #tpu.memory_space<hbm>>
      %dma_start3A_63 = arith.constant 10112 : i32
      %dma_start3A_64 = arith.constant 0 : i32
      %dma_start3A_65 = tpu.memref_slice %arg4[%dma_start3A_63, %dma_start3A_64] : memref<10240x128xf32, #tpu.memory_space<hbm>> -> memref<128x128xf32, #tpu.memory_space<hbm>>
      tpu.enqueue_dma source(%dma_start3A_65 : memref<128x128xf32, #tpu.memory_space<hbm>>) target(%arg8 : memref<128x128xf32, #tpu.memory_space<vmem>>) target_semaphore(%run_scoped3A_59 : memref<!tpu.dma_semaphore, #tpu.memory_space<semaphore_mem>>)
      %dma_wait3A_66 = arith.constant 10112 : i32
      %dma_wait3A_67 = arith.constant 0 : i32
      %dma_wait3A_68 = tpu.memref_slice %arg4[%dma_wait3A_66, %dma_wait3A_67] : memref<10240x128xf32, #tpu.memory_space<hbm>> -> memref<128x128xf32, #tpu.memory_space<hbm>>
      %dma_wait3A_69 = arith.constant 10112 : i32
      %dma_wait3A_70 = arith.constant 0 : i32
      %dma_wait3A_71 = tpu.memref_slice %arg4[%dma_wait3A_69, %dma_wait3A_70] : memref<10240x128xf32, #tpu.memory_space<hbm>> -> memref<128x128xf32, #tpu.memory_space<hbm>>
      tpu.wait_dma2 semaphore(%run_scoped3A_59 : memref<!tpu.dma_semaphore, #tpu.memory_space<semaphore_mem>>) src(%dma_wait3A_71 : memref<128x128xf32, #tpu.memory_space<hbm>>) dst(%arg8 : memref<128x128xf32, #tpu.memory_space<vmem>>)
      tpu.yield
    }) : () -> ()
    %mul3A = arith.constant 640 : i32
    %mul3A_0 = arith.muli %arg1, %mul3A : i32
    %add3A = arith.constant 0 : i32
    %add3A_1 = arith.addi %mul3A_0, %add3A : i32
    "tpu.region"() ({
      %run_scoped3A_59 = tpu.sem_alloc : memref<!tpu.dma_semaphore, #tpu.memory_space<semaphore_mem>>
      %dma_start3A_60 = arith.constant 0 : i32
      %dma_start3A_61 = tpu.memref_slice %arg10[%add3A_1, %dma_start3A_60] : memref<10240x128xf32, #tpu.memory_space<vmem_shared>> -> memref<128x128xf32, #tpu.memory_space<vmem_shared>>
      %dma_start3A_62 = arith.constant 0 : i32
      %dma_start3A_63 = tpu.memref_slice %arg10[%add3A_1, %dma_start3A_62] : memref<10240x128xf32, #tpu.memory_space<vmem_shared>> -> memref<128x128xf32, #tpu.memory_space<vmem_shared>>
      tpu.enqueue_dma source(%arg8 : memref<128x128xf32, #tpu.memory_space<vmem>>) target(%dma_start3A_63 : memref<128x128xf32, #tpu.memory_space<vmem_shared>>) target_semaphore(%run_scoped3A_59 : memref<!tpu.dma_semaphore, #tpu.memory_space<semaphore_mem>>)
      %dma_wait3A_64 = arith.constant 0 : i32
      %dma_wait3A_65 = tpu.memref_slice %arg10[%add3A_1, %dma_wait3A_64] : memref<10240x128xf32, #tpu.memory_space<vmem_shared>> -> memref<128x128xf32, #tpu.memory_space<vmem_shared>>
      %dma_wait3A_66 = arith.constant 0 : i32
      %dma_wait3A_67 = tpu.memref_slice %arg10[%add3A_1, %dma_wait3A_66] : memref<10240x128xf32, #tpu.memory_space<vmem_shared>> -> memref<128x128xf32, #tpu.memory_space<vmem_shared>>
      tpu.wait_dma2 semaphore(%run_scoped3A_59 : memref<!tpu.dma_semaphore, #tpu.memory_space<semaphore_mem>>) src(%arg8 : memref<128x128xf32, #tpu.memory_space<vmem>>) dst(%dma_wait3A_67 : memref<128x128xf32, #tpu.memory_space<vmem_shared>>)
      tpu.yield
    }) : () -> ()
    %mul3A_2 = arith.constant 640 : i32
    %mul3A_3 = arith.muli %arg1, %mul3A_2 : i32
    %add3A_4 = arith.constant 128 : i32
    %add3A_5 = arith.addi %mul3A_3, %add3A_4 : i32
    "tpu.region"() ({
      %run_scoped3A_59 = tpu.sem_alloc : memref<!tpu.dma_semaphore, #tpu.memory_space<semaphore_mem>>
      %dma_start3A_60 = arith.constant 0 : i32
      %dma_start3A_61 = tpu.memref_slice %arg10[%add3A_5, %dma_start3A_60] : memref<10240x128xf32, #tpu.memory_space<vmem_shared>> -> memref<128x128xf32, #tpu.memory_space<vmem_shared>>
      %dma_start3A_62 = arith.constant 0 : i32
      %dma_start3A_63 = tpu.memref_slice %arg10[%add3A_5, %dma_start3A_62] : memref<10240x128xf32, #tpu.memory_space<vmem_shared>> -> memref<128x128xf32, #tpu.memory_space<vmem_shared>>
      tpu.enqueue_dma source(%arg8 : memref<128x128xf32, #tpu.memory_space<vmem>>) target(%dma_start3A_63 : memref<128x128xf32, #tpu.memory_space<vmem_shared>>) target_semaphore(%run_scoped3A_59 : memref<!tpu.dma_semaphore, #tpu.memory_space<semaphore_mem>>)
      %dma_wait3A_64 = arith.constant 0 : i32
      %dma_wait3A_65 = tpu.memref_slice %arg10[%add3A_5, %dma_wait3A_64] : memref<10240x128xf32, #tpu.memory_space<vmem_shared>> -> memref<128x128xf32, #tpu.memory_space<vmem_shared>>
      %dma_wait3A_66 = arith.constant 0 : i32
      %dma_wait3A_67 = tpu.memref_slice %arg10[%add3A_5, %dma_wait3A_66] : memref<10240x128xf32, #tpu.memory_space<vmem_shared>> -> memref<128x128xf32, #tpu.memory_space<vmem_shared>>
      tpu.wait_dma2 semaphore(%run_scoped3A_59 : memref<!tpu.dma_semaphore, #tpu.memory_space<semaphore_mem>>) src(%arg8 : memref<128x128xf32, #tpu.memory_space<vmem>>) dst(%dma_wait3A_67 : memref<128x128xf32, #tpu.memory_space<vmem_shared>>)
      tpu.yield
    }) : () -> ()
    %mul3A_6 = arith.constant 640 : i32
    %mul3A_7 = arith.muli %arg1, %mul3A_6 : i32
    %add3A_8 = arith.constant 256 : i32
    %add3A_9 = arith.addi %mul3A_7, %add3A_8 : i32
    "tpu.region"() ({
      %run_scoped3A_59 = tpu.sem_alloc : memref<!tpu.dma_semaphore, #tpu.memory_space<semaphore_mem>>
      %dma_start3A_60 = arith.constant 0 : i32
      %dma_start3A_61 = tpu.memref_slice %arg10[%add3A_9, %dma_start3A_60] : memref<10240x128xf32, #tpu.memory_space<vmem_shared>> -> memref<128x128xf32, #tpu.memory_space<vmem_shared>>
      %dma_start3A_62 = arith.constant 0 : i32
      %dma_start3A_63 = tpu.memref_slice %arg10[%add3A_9, %dma_start3A_62] : memref<10240x128xf32, #tpu.memory_space<vmem_shared>> -> memref<128x128xf32, #tpu.memory_space<vmem_shared>>
      tpu.enqueue_dma source(%arg8 : memref<128x128xf32, #tpu.memory_space<vmem>>) target(%dma_start3A_63 : memref<128x128xf32, #tpu.memory_space<vmem_shared>>) target_semaphore(%run_scoped3A_59 : memref<!tpu.dma_semaphore, #tpu.memory_space<semaphore_mem>>)
      %dma_wait3A_64 = arith.constant 0 : i32
      %dma_wait3A_65 = tpu.memref_slice %arg10[%add3A_9, %dma_wait3A_64] : memref<10240x128xf32, #tpu.memory_space<vmem_shared>> -> memref<128x128xf32, #tpu.memory_space<vmem_shared>>
      %dma_wait3A_66 = arith.constant 0 : i32
      %dma_wait3A_67 = tpu.memref_slice %arg10[%add3A_9, %dma_wait3A_66] : memref<10240x128xf32, #tpu.memory_space<vmem_shared>> -> memref<128x128xf32, #tpu.memory_space<vmem_shared>>
      tpu.wait_dma2 semaphore(%run_scoped3A_59 : memref<!tpu.dma_semaphore, #tpu.memory_space<semaphore_mem>>) src(%arg8 : memref<128x128xf32, #tpu.memory_space<vmem>>) dst(%dma_wait3A_67 : memref<128x128xf32, #tpu.memory_space<vmem_shared>>)
      tpu.yield
    }) : () -> ()
    %mul3A_10 = arith.constant 640 : i32
    %mul3A_11 = arith.muli %arg1, %mul3A_10 : i32
    %add3A_12 = arith.constant 384 : i32
    %add3A_13 = arith.addi %mul3A_11, %add3A_12 : i32
    "tpu.region"() ({
      %run_scoped3A_59 = tpu.sem_alloc : memref<!tpu.dma_semaphore, #tpu.memory_space<semaphore_mem>>
      %dma_start3A_60 = arith.constant 0 : i32
      %dma_start3A_61 = tpu.memref_slice %arg10[%add3A_13, %dma_start3A_60] : memref<10240x128xf32, #tpu.memory_space<vmem_shared>> -> memref<128x128xf32, #tpu.memory_space<vmem_shared>>
      %dma_start3A_62 = arith.constant 0 : i32
      %dma_start3A_63 = tpu.memref_slice %arg10[%add3A_13, %dma_start3A_62] : memref<10240x128xf32, #tpu.memory_space<vmem_shared>> -> memref<128x128xf32, #tpu.memory_space<vmem_shared>>
      tpu.enqueue_dma source(%arg8 : memref<128x128xf32, #tpu.memory_space<vmem>>) target(%dma_start3A_63 : memref<128x128xf32, #tpu.memory_space<vmem_shared>>) target_semaphore(%run_scoped3A_59 : memref<!tpu.dma_semaphore, #tpu.memory_space<semaphore_mem>>)
      %dma_wait3A_64 = arith.constant 0 : i32
      %dma_wait3A_65 = tpu.memref_slice %arg10[%add3A_13, %dma_wait3A_64] : memref<10240x128xf32, #tpu.memory_space<vmem_shared>> -> memref<128x128xf32, #tpu.memory_space<vmem_shared>>
      %dma_wait3A_66 = arith.constant 0 : i32
      %dma_wait3A_67 = tpu.memref_slice %arg10[%add3A_13, %dma_wait3A_66] : memref<10240x128xf32, #tpu.memory_space<vmem_shared>> -> memref<128x128xf32, #tpu.memory_space<vmem_shared>>
      tpu.wait_dma2 semaphore(%run_scoped3A_59 : memref<!tpu.dma_semaphore, #tpu.memory_space<semaphore_mem>>) src(%arg8 : memref<128x128xf32, #tpu.memory_space<vmem>>) dst(%dma_wait3A_67 : memref<128x128xf32, #tpu.memory_space<vmem_shared>>)
      tpu.yield
    }) : () -> ()
    %mul3A_14 = arith.constant 640 : i32
    %mul3A_15 = arith.muli %arg1, %mul3A_14 : i32
    %add3A_16 = arith.constant 512 : i32
    %add3A_17 = arith.addi %mul3A_15, %add3A_16 : i32
    "tpu.region"() ({
      %run_scoped3A_59 = tpu.sem_alloc : memref<!tpu.dma_semaphore, #tpu.memory_space<semaphore_mem>>
      %dma_start3A_60 = arith.constant 0 : i32
      %dma_start3A_61 = tpu.memref_slice %arg10[%add3A_17, %dma_start3A_60] : memref<10240x128xf32, #tpu.memory_space<vmem_shared>> -> memref<128x128xf32, #tpu.memory_space<vmem_shared>>
      %dma_start3A_62 = arith.constant 0 : i32
      %dma_start3A_63 = tpu.memref_slice %arg10[%add3A_17, %dma_start3A_62] : memref<10240x128xf32, #tpu.memory_space<vmem_shared>> -> memref<128x128xf32, #tpu.memory_space<vmem_shared>>
      tpu.enqueue_dma source(%arg8 : memref<128x128xf32, #tpu.memory_space<vmem>>) target(%dma_start3A_63 : memref<128x128xf32, #tpu.memory_space<vmem_shared>>) target_semaphore(%run_scoped3A_59 : memref<!tpu.dma_semaphore, #tpu.memory_space<semaphore_mem>>)
      %dma_wait3A_64 = arith.constant 0 : i32
      %dma_wait3A_65 = tpu.memref_slice %arg10[%add3A_17, %dma_wait3A_64] : memref<10240x128xf32, #tpu.memory_space<vmem_shared>> -> memref<128x128xf32, #tpu.memory_space<vmem_shared>>
      %dma_wait3A_66 = arith.constant 0 : i32
      %dma_wait3A_67 = tpu.memref_slice %arg10[%add3A_17, %dma_wait3A_66] : memref<10240x128xf32, #tpu.memory_space<vmem_shared>> -> memref<128x128xf32, #tpu.memory_space<vmem_shared>>
      tpu.wait_dma2 semaphore(%run_scoped3A_59 : memref<!tpu.dma_semaphore, #tpu.memory_space<semaphore_mem>>) src(%arg8 : memref<128x128xf32, #tpu.memory_space<vmem>>) dst(%dma_wait3A_67 : memref<128x128xf32, #tpu.memory_space<vmem_shared>>)
      tpu.yield
    }) : () -> ()
    %barrier3A = arith.constant 0 : index
    tpu.barrier barrier_id(%barrier3A)
    %dma_start3A = arith.constant 0 : i32
    %dma_start3A_18 = arith.constant 0 : i32
    %dma_start3A_19 = tpu.memref_slice %arg6[%dma_start3A, %dma_start3A_18] : memref<80x128xi32, #tpu.memory_space<vmem>> -> memref<1x128xi32, #tpu.memory_space<vmem>>
    %dma_start3A_20 = tpu.memref_squeeze %dma_start3A_19 : memref<1x128xi32, #tpu.memory_space<vmem>> -> memref<128xi32, #tpu.memory_space<vmem>>
    %dma_start3A_21 = arith.constant 0 : i32
    %dma_start3A_22 = arith.constant 0 : i32
    %dma_start3A_23 = tpu.memref_slice %arg4[%dma_start3A_21, %dma_start3A_22] : memref<10240x128xf32, #tpu.memory_space<hbm>> -> memref<10240x128xf32, #tpu.memory_space<hbm>>
    tpu.enqueue_indirect_dma source(%dma_start3A_23 : memref<10240x128xf32, #tpu.memory_space<hbm>>) target(%arg8 : memref<128x128xf32, #tpu.memory_space<vmem>>) offsets(%dma_start3A_20 : memref<128xi32, #tpu.memory_space<vmem>>) semaphore(%arg11 : memref<!tpu.dma_semaphore, #tpu.memory_space<semaphore_mem>>)
    %dma_start3A_24 = arith.constant 1 : i32
    %dma_start3A_25 = arith.constant 0 : i32
    %dma_start3A_26 = tpu.memref_slice %arg6[%dma_start3A_24, %dma_start3A_25] : memref<80x128xi32, #tpu.memory_space<vmem>> -> memref<1x128xi32, #tpu.memory_space<vmem>>
    %dma_start3A_27 = tpu.memref_squeeze %dma_start3A_26 : memref<1x128xi32, #tpu.memory_space<vmem>> -> memref<128xi32, #tpu.memory_space<vmem>>
    %dma_start3A_28 = arith.constant 0 : i32
    %dma_start3A_29 = arith.constant 0 : i32
    %dma_start3A_30 = tpu.memref_slice %arg4[%dma_start3A_28, %dma_start3A_29] : memref<10240x128xf32, #tpu.memory_space<hbm>> -> memref<10240x128xf32, #tpu.memory_space<hbm>>
    tpu.enqueue_indirect_dma source(%dma_start3A_30 : memref<10240x128xf32, #tpu.memory_space<hbm>>) target(%arg9 : memref<128x128xf32, #tpu.memory_space<vmem>>) offsets(%dma_start3A_27 : memref<128xi32, #tpu.memory_space<vmem>>) semaphore(%arg12 : memref<!tpu.dma_semaphore, #tpu.memory_space<semaphore_mem>>)
    "tpu.region"() ({
      %run_scoped3A_59 = tpu.sem_alloc : memref<!tpu.dma_semaphore, #tpu.memory_space<semaphore_mem>>
      %dma_start3A_60 = arith.constant 0 : i32
      %dma_start3A_61 = arith.constant 0 : i32
      %dma_start3A_62 = tpu.memref_slice %arg3[%arg0, %arg1, %dma_start3A_60, %dma_start3A_61] : memref<2x16x80x128xi32, #tpu.memory_space<hbm>> -> memref<1x1x40x128xi32, #tpu.memory_space<hbm>>
      %dma_start3A_63 = tpu.memref_squeeze %dma_start3A_62 : memref<1x1x40x128xi32, #tpu.memory_space<hbm>> -> memref<40x128xi32, #tpu.memory_space<hbm>>
      %dma_start3A_64 = arith.constant 0 : i32
      %dma_start3A_65 = arith.constant 0 : i32
      %dma_start3A_66 = tpu.memref_slice %arg3[%arg0, %arg1, %dma_start3A_64, %dma_start3A_65] : memref<2x16x80x128xi32, #tpu.memory_space<hbm>> -> memref<1x1x40x128xi32, #tpu.memory_space<hbm>>
      %dma_start3A_67 = tpu.memref_squeeze %dma_start3A_66 : memref<1x1x40x128xi32, #tpu.memory_space<hbm>> -> memref<40x128xi32, #tpu.memory_space<hbm>>
      tpu.enqueue_dma source(%dma_start3A_67 : memref<40x128xi32, #tpu.memory_space<hbm>>) target(%arg7 : memref<40x128xi32, #tpu.memory_space<vmem>>) target_semaphore(%run_scoped3A_59 : memref<!tpu.dma_semaphore, #tpu.memory_space<semaphore_mem>>)
      %dma_wait3A_68 = arith.constant 0 : i32
      %dma_wait3A_69 = arith.constant 0 : i32
      %dma_wait3A_70 = tpu.memref_slice %arg3[%arg0, %arg1, %dma_wait3A_68, %dma_wait3A_69] : memref<2x16x80x128xi32, #tpu.memory_space<hbm>> -> memref<1x1x40x128xi32, #tpu.memory_space<hbm>>
      %dma_wait3A_71 = tpu.memref_squeeze %dma_wait3A_70 : memref<1x1x40x128xi32, #tpu.memory_space<hbm>> -> memref<40x128xi32, #tpu.memory_space<hbm>>
      %dma_wait3A_72 = arith.constant 0 : i32
      %dma_wait3A_73 = arith.constant 0 : i32
      %dma_wait3A_74 = tpu.memref_slice %arg3[%arg0, %arg1, %dma_wait3A_72, %dma_wait3A_73] : memref<2x16x80x128xi32, #tpu.memory_space<hbm>> -> memref<1x1x40x128xi32, #tpu.memory_space<hbm>>
      %dma_wait3A_75 = tpu.memref_squeeze %dma_wait3A_74 : memref<1x1x40x128xi32, #tpu.memory_space<hbm>> -> memref<40x128xi32, #tpu.memory_space<hbm>>
      tpu.wait_dma2 semaphore(%run_scoped3A_59 : memref<!tpu.dma_semaphore, #tpu.memory_space<semaphore_mem>>) src(%dma_wait3A_75 : memref<40x128xi32, #tpu.memory_space<hbm>>) dst(%arg7 : memref<40x128xi32, #tpu.memory_space<vmem>>)
      tpu.yield
    }) : () -> ()
    %scan3A = arith.constant 0 : i32
    %scan3A_31 = arith.constant 0 : i32
    %scan3A_32 = arith.constant 20 : i32
    %scan3A_33 = arith.addi %scan3A_31, %scan3A_32 : i32
    %scan3A_34 = arith.constant 1 : i32
    scf.for %scan3A_59 = %scan3A_31 to %scan3A_33 step %scan3A_34  : i32 {
      %mul3A_60 = arith.constant 2 : i32
      %mul3A_61 = arith.muli %scan3A_59, %mul3A_60 : i32
      %add3A_62 = arith.constant 0 : i32
      %add3A_63 = arith.addi %mul3A_61, %add3A_62 : i32
      %add3A_64 = arith.constant 0 : i32
      %add3A_65 = arith.addi %add3A_64, %add3A_63 : i32
      %dma_wait3A_66 = arith.constant 0 : i32
      %dma_wait3A_67 = arith.constant 0 : i32
      %dma_wait3A_68 = tpu.memref_slice %arg4[%dma_wait3A_66, %dma_wait3A_67] : memref<10240x128xf32, #tpu.memory_space<hbm>> -> memref<128x128xf32, #tpu.memory_space<hbm>>
      %dma_wait3A_69 = arith.constant 0 : i32
      %dma_wait3A_70 = arith.constant 0 : i32
      %dma_wait3A_71 = tpu.memref_slice %arg4[%dma_wait3A_69, %dma_wait3A_70] : memref<10240x128xf32, #tpu.memory_space<hbm>> -> memref<128x128xf32, #tpu.memory_space<hbm>>
      tpu.wait_dma2 semaphore(%arg11 : memref<!tpu.dma_semaphore, #tpu.memory_space<semaphore_mem>>) src(%dma_wait3A_71 : memref<128x128xf32, #tpu.memory_space<hbm>>) dst(%arg8 : memref<128x128xf32, #tpu.memory_space<vmem>>)
      "tpu.region"() ({
        %run_scoped3A_100 = tpu.sem_alloc : memref<!tpu.dma_semaphore, #tpu.memory_space<semaphore_mem>>
        %dma_start3A_101 = arith.constant 0 : i32
        %dma_start3A_102 = tpu.memref_slice %arg7[%add3A_63, %dma_start3A_101] : memref<40x128xi32, #tpu.memory_space<vmem>> -> memref<1x128xi32, #tpu.memory_space<vmem>>
        %dma_start3A_103 = tpu.memref_squeeze %dma_start3A_102 : memref<1x128xi32, #tpu.memory_space<vmem>> -> memref<128xi32, #tpu.memory_space<vmem>>
        %dma_start3A_104 = arith.constant 0 : i32
        %dma_start3A_105 = arith.constant 0 : i32
        %dma_start3A_106 = tpu.memref_slice %arg10[%dma_start3A_104, %dma_start3A_105] : memref<10240x128xf32, #tpu.memory_space<vmem_shared>> -> memref<10240x128xf32, #tpu.memory_space<vmem_shared>>
        tpu.enqueue_indirect_dma source(%arg8 : memref<128x128xf32, #tpu.memory_space<vmem>>) target(%dma_start3A_106 : memref<10240x128xf32, #tpu.memory_space<vmem_shared>>) offsets(%dma_start3A_103 : memref<128xi32, #tpu.memory_space<vmem>>) semaphore(%run_scoped3A_100 : memref<!tpu.dma_semaphore, #tpu.memory_space<semaphore_mem>>) {add = true}
        %dma_wait3A_107 = arith.constant 0 : i32
        %dma_wait3A_108 = tpu.memref_slice %arg7[%add3A_63, %dma_wait3A_107] : memref<40x128xi32, #tpu.memory_space<vmem>> -> memref<1x128xi32, #tpu.memory_space<vmem>>
        %dma_wait3A_109 = tpu.memref_squeeze %dma_wait3A_108 : memref<1x128xi32, #tpu.memory_space<vmem>> -> memref<128xi32, #tpu.memory_space<vmem>>
        %dma_wait3A_110 = arith.constant 0 : i32
        %dma_wait3A_111 = arith.constant 0 : i32
        %dma_wait3A_112 = tpu.memref_slice %arg10[%dma_wait3A_110, %dma_wait3A_111] : memref<10240x128xf32, #tpu.memory_space<vmem_shared>> -> memref<10240x128xf32, #tpu.memory_space<vmem_shared>>
        tpu.wait_indirect_dma semaphore(%run_scoped3A_100 : memref<!tpu.dma_semaphore, #tpu.memory_space<semaphore_mem>>) src(%arg8 : memref<128x128xf32, #tpu.memory_space<vmem>>) dst(%dma_wait3A_112 : memref<10240x128xf32, #tpu.memory_space<vmem_shared>>)
        tpu.yield
      }) : () -> ()
      %add3A_72 = arith.constant 2 : i32
      %add3A_73 = arith.addi %add3A_65, %add3A_72 : i32
      %dma_start3A_74 = arith.constant 0 : i32
      %dma_start3A_75 = tpu.memref_slice %arg6[%add3A_73, %dma_start3A_74] : memref<80x128xi32, #tpu.memory_space<vmem>> -> memref<1x128xi32, #tpu.memory_space<vmem>>
      %dma_start3A_76 = tpu.memref_squeeze %dma_start3A_75 : memref<1x128xi32, #tpu.memory_space<vmem>> -> memref<128xi32, #tpu.memory_space<vmem>>
      %dma_start3A_77 = arith.constant 0 : i32
      %dma_start3A_78 = arith.constant 0 : i32
      %dma_start3A_79 = tpu.memref_slice %arg4[%dma_start3A_77, %dma_start3A_78] : memref<10240x128xf32, #tpu.memory_space<hbm>> -> memref<10240x128xf32, #tpu.memory_space<hbm>>
      tpu.enqueue_indirect_dma source(%dma_start3A_79 : memref<10240x128xf32, #tpu.memory_space<hbm>>) target(%arg8 : memref<128x128xf32, #tpu.memory_space<vmem>>) offsets(%dma_start3A_76 : memref<128xi32, #tpu.memory_space<vmem>>) semaphore(%arg11 : memref<!tpu.dma_semaphore, #tpu.memory_space<semaphore_mem>>)
      %mul3A_80 = arith.constant 2 : i32
      %mul3A_81 = arith.muli %scan3A_59, %mul3A_80 : i32
      %add3A_82 = arith.constant 1 : i32
      %add3A_83 = arith.addi %mul3A_81, %add3A_82 : i32
      %add3A_84 = arith.constant 0 : i32
      %add3A_85 = arith.addi %add3A_84, %add3A_83 : i32
      %dma_wait3A_86 = arith.constant 0 : i32
      %dma_wait3A_87 = arith.constant 0 : i32
      %dma_wait3A_88 = tpu.memref_slice %arg4[%dma_wait3A_86, %dma_wait3A_87] : memref<10240x128xf32, #tpu.memory_space<hbm>> -> memref<128x128xf32, #tpu.memory_space<hbm>>
      %dma_wait3A_89 = arith.constant 0 : i32
      %dma_wait3A_90 = arith.constant 0 : i32
      %dma_wait3A_91 = tpu.memref_slice %arg4[%dma_wait3A_89, %dma_wait3A_90] : memref<10240x128xf32, #tpu.memory_space<hbm>> -> memref<128x128xf32, #tpu.memory_space<hbm>>
      tpu.wait_dma2 semaphore(%arg12 : memref<!tpu.dma_semaphore, #tpu.memory_space<semaphore_mem>>) src(%dma_wait3A_91 : memref<128x128xf32, #tpu.memory_space<hbm>>) dst(%arg9 : memref<128x128xf32, #tpu.memory_space<vmem>>)
      "tpu.region"() ({
        %run_scoped3A_100 = tpu.sem_alloc : memref<!tpu.dma_semaphore, #tpu.memory_space<semaphore_mem>>
        %dma_start3A_101 = arith.constant 0 : i32
        %dma_start3A_102 = tpu.memref_slice %arg7[%add3A_83, %dma_start3A_101] : memref<40x128xi32, #tpu.memory_space<vmem>> -> memref<1x128xi32, #tpu.memory_space<vmem>>
        %dma_start3A_103 = tpu.memref_squeeze %dma_start3A_102 : memref<1x128xi32, #tpu.memory_space<vmem>> -> memref<128xi32, #tpu.memory_space<vmem>>
        %dma_start3A_104 = arith.constant 0 : i32
        %dma_start3A_105 = arith.constant 0 : i32
        %dma_start3A_106 = tpu.memref_slice %arg10[%dma_start3A_104, %dma_start3A_105] : memref<10240x128xf32, #tpu.memory_space<vmem_shared>> -> memref<10240x128xf32, #tpu.memory_space<vmem_shared>>
        tpu.enqueue_indirect_dma source(%arg9 : memref<128x128xf32, #tpu.memory_space<vmem>>) target(%dma_start3A_106 : memref<10240x128xf32, #tpu.memory_space<vmem_shared>>) offsets(%dma_start3A_103 : memref<128xi32, #tpu.memory_space<vmem>>) semaphore(%run_scoped3A_100 : memref<!tpu.dma_semaphore, #tpu.memory_space<semaphore_mem>>) {add = true}
        %dma_wait3A_107 = arith.constant 0 : i32
        %dma_wait3A_108 = tpu.memref_slice %arg7[%add3A_83, %dma_wait3A_107] : memref<40x128xi32, #tpu.memory_space<vmem>> -> memref<1x128xi32, #tpu.memory_space<vmem>>
        %dma_wait3A_109 = tpu.memref_squeeze %dma_wait3A_108 : memref<1x128xi32, #tpu.memory_space<vmem>> -> memref<128xi32, #tpu.memory_space<vmem>>
        %dma_wait3A_110 = arith.constant 0 : i32
        %dma_wait3A_111 = arith.constant 0 : i32
        %dma_wait3A_112 = tpu.memref_slice %arg10[%dma_wait3A_110, %dma_wait3A_111] : memref<10240x128xf32, #tpu.memory_space<vmem_shared>> -> memref<10240x128xf32, #tpu.memory_space<vmem_shared>>
        tpu.wait_indirect_dma semaphore(%run_scoped3A_100 : memref<!tpu.dma_semaphore, #tpu.memory_space<semaphore_mem>>) src(%arg9 : memref<128x128xf32, #tpu.memory_space<vmem>>) dst(%dma_wait3A_112 : memref<10240x128xf32, #tpu.memory_space<vmem_shared>>)
        tpu.yield
      }) : () -> ()
      %add3A_92 = arith.constant 2 : i32
      %add3A_93 = arith.addi %add3A_85, %add3A_92 : i32
      %dma_start3A_94 = arith.constant 0 : i32
      %dma_start3A_95 = tpu.memref_slice %arg6[%add3A_93, %dma_start3A_94] : memref<80x128xi32, #tpu.memory_space<vmem>> -> memref<1x128xi32, #tpu.memory_space<vmem>>
      %dma_start3A_96 = tpu.memref_squeeze %dma_start3A_95 : memref<1x128xi32, #tpu.memory_space<vmem>> -> memref<128xi32, #tpu.memory_space<vmem>>
      %dma_start3A_97 = arith.constant 0 : i32
      %dma_start3A_98 = arith.constant 0 : i32
      %dma_start3A_99 = tpu.memref_slice %arg4[%dma_start3A_97, %dma_start3A_98] : memref<10240x128xf32, #tpu.memory_space<hbm>> -> memref<10240x128xf32, #tpu.memory_space<hbm>>
      tpu.enqueue_indirect_dma source(%dma_start3A_99 : memref<10240x128xf32, #tpu.memory_space<hbm>>) target(%arg9 : memref<128x128xf32, #tpu.memory_space<vmem>>) offsets(%dma_start3A_96 : memref<128xi32, #tpu.memory_space<vmem>>) semaphore(%arg12 : memref<!tpu.dma_semaphore, #tpu.memory_space<semaphore_mem>>)
    }
    %scan3A_35 = arith.constant 20 : i32
    "tpu.region"() ({
      %run_scoped3A_59 = tpu.sem_alloc : memref<!tpu.dma_semaphore, #tpu.memory_space<semaphore_mem>>
      %dma_start3A_60 = arith.constant 40 : i32
      %dma_start3A_61 = arith.constant 0 : i32
      %dma_start3A_62 = tpu.memref_slice %arg3[%arg0, %arg1, %dma_start3A_60, %dma_start3A_61] : memref<2x16x80x128xi32, #tpu.memory_space<hbm>> -> memref<1x1x40x128xi32, #tpu.memory_space<hbm>>
      %dma_start3A_63 = tpu.memref_squeeze %dma_start3A_62 : memref<1x1x40x128xi32, #tpu.memory_space<hbm>> -> memref<40x128xi32, #tpu.memory_space<hbm>>
      %dma_start3A_64 = arith.constant 40 : i32
      %dma_start3A_65 = arith.constant 0 : i32
      %dma_start3A_66 = tpu.memref_slice %arg3[%arg0, %arg1, %dma_start3A_64, %dma_start3A_65] : memref<2x16x80x128xi32, #tpu.memory_space<hbm>> -> memref<1x1x40x128xi32, #tpu.memory_space<hbm>>
      %dma_start3A_67 = tpu.memref_squeeze %dma_start3A_66 : memref<1x1x40x128xi32, #tpu.memory_space<hbm>> -> memref<40x128xi32, #tpu.memory_space<hbm>>
      tpu.enqueue_dma source(%dma_start3A_67 : memref<40x128xi32, #tpu.memory_space<hbm>>) target(%arg7 : memref<40x128xi32, #tpu.memory_space<vmem>>) target_semaphore(%run_scoped3A_59 : memref<!tpu.dma_semaphore, #tpu.memory_space<semaphore_mem>>)
      %dma_wait3A_68 = arith.constant 40 : i32
      %dma_wait3A_69 = arith.constant 0 : i32
      %dma_wait3A_70 = tpu.memref_slice %arg3[%arg0, %arg1, %dma_wait3A_68, %dma_wait3A_69] : memref<2x16x80x128xi32, #tpu.memory_space<hbm>> -> memref<1x1x40x128xi32, #tpu.memory_space<hbm>>
      %dma_wait3A_71 = tpu.memref_squeeze %dma_wait3A_70 : memref<1x1x40x128xi32, #tpu.memory_space<hbm>> -> memref<40x128xi32, #tpu.memory_space<hbm>>
      %dma_wait3A_72 = arith.constant 40 : i32
      %dma_wait3A_73 = arith.constant 0 : i32
      %dma_wait3A_74 = tpu.memref_slice %arg3[%arg0, %arg1, %dma_wait3A_72, %dma_wait3A_73] : memref<2x16x80x128xi32, #tpu.memory_space<hbm>> -> memref<1x1x40x128xi32, #tpu.memory_space<hbm>>
      %dma_wait3A_75 = tpu.memref_squeeze %dma_wait3A_74 : memref<1x1x40x128xi32, #tpu.memory_space<hbm>> -> memref<40x128xi32, #tpu.memory_space<hbm>>
      tpu.wait_dma2 semaphore(%run_scoped3A_59 : memref<!tpu.dma_semaphore, #tpu.memory_space<semaphore_mem>>) src(%dma_wait3A_75 : memref<40x128xi32, #tpu.memory_space<hbm>>) dst(%arg7 : memref<40x128xi32, #tpu.memory_space<vmem>>)
      tpu.yield
    }) : () -> ()
    %scan3A_36 = arith.constant 0 : i32
    %scan3A_37 = arith.constant 0 : i32
    %scan3A_38 = arith.constant 19 : i32
    %scan3A_39 = arith.addi %scan3A_37, %scan3A_38 : i32
    %scan3A_40 = arith.constant 1 : i32
    scf.for %scan3A_59 = %scan3A_37 to %scan3A_39 step %scan3A_40  : i32 {
      %mul3A_60 = arith.constant 2 : i32
      %mul3A_61 = arith.muli %scan3A_59, %mul3A_60 : i32
      %add3A_62 = arith.constant 0 : i32
      %add3A_63 = arith.addi %mul3A_61, %add3A_62 : i32
      %add3A_64 = arith.constant 40 : i32
      %add3A_65 = arith.addi %add3A_64, %add3A_63 : i32
      %dma_wait3A_66 = arith.constant 0 : i32
      %dma_wait3A_67 = arith.constant 0 : i32
      %dma_wait3A_68 = tpu.memref_slice %arg4[%dma_wait3A_66, %dma_wait3A_67] : memref<10240x128xf32, #tpu.memory_space<hbm>> -> memref<128x128xf32, #tpu.memory_space<hbm>>
      %dma_wait3A_69 = arith.constant 0 : i32
      %dma_wait3A_70 = arith.constant 0 : i32
      %dma_wait3A_71 = tpu.memref_slice %arg4[%dma_wait3A_69, %dma_wait3A_70] : memref<10240x128xf32, #tpu.memory_space<hbm>> -> memref<128x128xf32, #tpu.memory_space<hbm>>
      tpu.wait_dma2 semaphore(%arg11 : memref<!tpu.dma_semaphore, #tpu.memory_space<semaphore_mem>>) src(%dma_wait3A_71 : memref<128x128xf32, #tpu.memory_space<hbm>>) dst(%arg8 : memref<128x128xf32, #tpu.memory_space<vmem>>)
      "tpu.region"() ({
        %run_scoped3A_100 = tpu.sem_alloc : memref<!tpu.dma_semaphore, #tpu.memory_space<semaphore_mem>>
        %dma_start3A_101 = arith.constant 0 : i32
        %dma_start3A_102 = tpu.memref_slice %arg7[%add3A_63, %dma_start3A_101] : memref<40x128xi32, #tpu.memory_space<vmem>> -> memref<1x128xi32, #tpu.memory_space<vmem>>
        %dma_start3A_103 = tpu.memref_squeeze %dma_start3A_102 : memref<1x128xi32, #tpu.memory_space<vmem>> -> memref<128xi32, #tpu.memory_space<vmem>>
        %dma_start3A_104 = arith.constant 0 : i32
        %dma_start3A_105 = arith.constant 0 : i32
        %dma_start3A_106 = tpu.memref_slice %arg10[%dma_start3A_104, %dma_start3A_105] : memref<10240x128xf32, #tpu.memory_space<vmem_shared>> -> memref<10240x128xf32, #tpu.memory_space<vmem_shared>>
        tpu.enqueue_indirect_dma source(%arg8 : memref<128x128xf32, #tpu.memory_space<vmem>>) target(%dma_start3A_106 : memref<10240x128xf32, #tpu.memory_space<vmem_shared>>) offsets(%dma_start3A_103 : memref<128xi32, #tpu.memory_space<vmem>>) semaphore(%run_scoped3A_100 : memref<!tpu.dma_semaphore, #tpu.memory_space<semaphore_mem>>) {add = true}
        %dma_wait3A_107 = arith.constant 0 : i32
        %dma_wait3A_108 = tpu.memref_slice %arg7[%add3A_63, %dma_wait3A_107] : memref<40x128xi32, #tpu.memory_space<vmem>> -> memref<1x128xi32, #tpu.memory_space<vmem>>
        %dma_wait3A_109 = tpu.memref_squeeze %dma_wait3A_108 : memref<1x128xi32, #tpu.memory_space<vmem>> -> memref<128xi32, #tpu.memory_space<vmem>>
        %dma_wait3A_110 = arith.constant 0 : i32
        %dma_wait3A_111 = arith.constant 0 : i32
        %dma_wait3A_112 = tpu.memref_slice %arg10[%dma_wait3A_110, %dma_wait3A_111] : memref<10240x128xf32, #tpu.memory_space<vmem_shared>> -> memref<10240x128xf32, #tpu.memory_space<vmem_shared>>
        tpu.wait_indirect_dma semaphore(%run_scoped3A_100 : memref<!tpu.dma_semaphore, #tpu.memory_space<semaphore_mem>>) src(%arg8 : memref<128x128xf32, #tpu.memory_space<vmem>>) dst(%dma_wait3A_112 : memref<10240x128xf32, #tpu.memory_space<vmem_shared>>)
        tpu.yield
      }) : () -> ()
      %add3A_72 = arith.constant 2 : i32
      %add3A_73 = arith.addi %add3A_65, %add3A_72 : i32
      %dma_start3A_74 = arith.constant 0 : i32
      %dma_start3A_75 = tpu.memref_slice %arg6[%add3A_73, %dma_start3A_74] : memref<80x128xi32, #tpu.memory_space<vmem>> -> memref<1x128xi32, #tpu.memory_space<vmem>>
      %dma_start3A_76 = tpu.memref_squeeze %dma_start3A_75 : memref<1x128xi32, #tpu.memory_space<vmem>> -> memref<128xi32, #tpu.memory_space<vmem>>
      %dma_start3A_77 = arith.constant 0 : i32
      %dma_start3A_78 = arith.constant 0 : i32
      %dma_start3A_79 = tpu.memref_slice %arg4[%dma_start3A_77, %dma_start3A_78] : memref<10240x128xf32, #tpu.memory_space<hbm>> -> memref<10240x128xf32, #tpu.memory_space<hbm>>
      tpu.enqueue_indirect_dma source(%dma_start3A_79 : memref<10240x128xf32, #tpu.memory_space<hbm>>) target(%arg8 : memref<128x128xf32, #tpu.memory_space<vmem>>) offsets(%dma_start3A_76 : memref<128xi32, #tpu.memory_space<vmem>>) semaphore(%arg11 : memref<!tpu.dma_semaphore, #tpu.memory_space<semaphore_mem>>)
      %mul3A_80 = arith.constant 2 : i32
      %mul3A_81 = arith.muli %scan3A_59, %mul3A_80 : i32
      %add3A_82 = arith.constant 1 : i32
      %add3A_83 = arith.addi %mul3A_81, %add3A_82 : i32
      %add3A_84 = arith.constant 40 : i32
      %add3A_85 = arith.addi %add3A_84, %add3A_83 : i32
      %dma_wait3A_86 = arith.constant 0 : i32
      %dma_wait3A_87 = arith.constant 0 : i32
      %dma_wait3A_88 = tpu.memref_slice %arg4[%dma_wait3A_86, %dma_wait3A_87] : memref<10240x128xf32, #tpu.memory_space<hbm>> -> memref<128x128xf32, #tpu.memory_space<hbm>>
      %dma_wait3A_89 = arith.constant 0 : i32
      %dma_wait3A_90 = arith.constant 0 : i32
      %dma_wait3A_91 = tpu.memref_slice %arg4[%dma_wait3A_89, %dma_wait3A_90] : memref<10240x128xf32, #tpu.memory_space<hbm>> -> memref<128x128xf32, #tpu.memory_space<hbm>>
      tpu.wait_dma2 semaphore(%arg12 : memref<!tpu.dma_semaphore, #tpu.memory_space<semaphore_mem>>) src(%dma_wait3A_91 : memref<128x128xf32, #tpu.memory_space<hbm>>) dst(%arg9 : memref<128x128xf32, #tpu.memory_space<vmem>>)
      "tpu.region"() ({
        %run_scoped3A_100 = tpu.sem_alloc : memref<!tpu.dma_semaphore, #tpu.memory_space<semaphore_mem>>
        %dma_start3A_101 = arith.constant 0 : i32
        %dma_start3A_102 = tpu.memref_slice %arg7[%add3A_83, %dma_start3A_101] : memref<40x128xi32, #tpu.memory_space<vmem>> -> memref<1x128xi32, #tpu.memory_space<vmem>>
        %dma_start3A_103 = tpu.memref_squeeze %dma_start3A_102 : memref<1x128xi32, #tpu.memory_space<vmem>> -> memref<128xi32, #tpu.memory_space<vmem>>
        %dma_start3A_104 = arith.constant 0 : i32
        %dma_start3A_105 = arith.constant 0 : i32
        %dma_start3A_106 = tpu.memref_slice %arg10[%dma_start3A_104, %dma_start3A_105] : memref<10240x128xf32, #tpu.memory_space<vmem_shared>> -> memref<10240x128xf32, #tpu.memory_space<vmem_shared>>
        tpu.enqueue_indirect_dma source(%arg9 : memref<128x128xf32, #tpu.memory_space<vmem>>) target(%dma_start3A_106 : memref<10240x128xf32, #tpu.memory_space<vmem_shared>>) offsets(%dma_start3A_103 : memref<128xi32, #tpu.memory_space<vmem>>) semaphore(%run_scoped3A_100 : memref<!tpu.dma_semaphore, #tpu.memory_space<semaphore_mem>>) {add = true}
        %dma_wait3A_107 = arith.constant 0 : i32
        %dma_wait3A_108 = tpu.memref_slice %arg7[%add3A_83, %dma_wait3A_107] : memref<40x128xi32, #tpu.memory_space<vmem>> -> memref<1x128xi32, #tpu.memory_space<vmem>>
        %dma_wait3A_109 = tpu.memref_squeeze %dma_wait3A_108 : memref<1x128xi32, #tpu.memory_space<vmem>> -> memref<128xi32, #tpu.memory_space<vmem>>
        %dma_wait3A_110 = arith.constant 0 : i32
        %dma_wait3A_111 = arith.constant 0 : i32
        %dma_wait3A_112 = tpu.memref_slice %arg10[%dma_wait3A_110, %dma_wait3A_111] : memref<10240x128xf32, #tpu.memory_space<vmem_shared>> -> memref<10240x128xf32, #tpu.memory_space<vmem_shared>>
        tpu.wait_indirect_dma semaphore(%run_scoped3A_100 : memref<!tpu.dma_semaphore, #tpu.memory_space<semaphore_mem>>) src(%arg9 : memref<128x128xf32, #tpu.memory_space<vmem>>) dst(%dma_wait3A_112 : memref<10240x128xf32, #tpu.memory_space<vmem_shared>>)
        tpu.yield
      }) : () -> ()
      %add3A_92 = arith.constant 2 : i32
      %add3A_93 = arith.addi %add3A_85, %add3A_92 : i32
      %dma_start3A_94 = arith.constant 0 : i32
      %dma_start3A_95 = tpu.memref_slice %arg6[%add3A_93, %dma_start3A_94] : memref<80x128xi32, #tpu.memory_space<vmem>> -> memref<1x128xi32, #tpu.memory_space<vmem>>
      %dma_start3A_96 = tpu.memref_squeeze %dma_start3A_95 : memref<1x128xi32, #tpu.memory_space<vmem>> -> memref<128xi32, #tpu.memory_space<vmem>>
      %dma_start3A_97 = arith.constant 0 : i32
      %dma_start3A_98 = arith.constant 0 : i32
      %dma_start3A_99 = tpu.memref_slice %arg4[%dma_start3A_97, %dma_start3A_98] : memref<10240x128xf32, #tpu.memory_space<hbm>> -> memref<10240x128xf32, #tpu.memory_space<hbm>>
      tpu.enqueue_indirect_dma source(%dma_start3A_99 : memref<10240x128xf32, #tpu.memory_space<hbm>>) target(%arg9 : memref<128x128xf32, #tpu.memory_space<vmem>>) offsets(%dma_start3A_96 : memref<128xi32, #tpu.memory_space<vmem>>) semaphore(%arg12 : memref<!tpu.dma_semaphore, #tpu.memory_space<semaphore_mem>>)
    }
    %scan3A_41 = arith.constant 19 : i32
    %dma_wait3A = arith.constant 0 : i32
    %dma_wait3A_42 = arith.constant 0 : i32
    %dma_wait3A_43 = tpu.memref_slice %arg4[%dma_wait3A, %dma_wait3A_42] : memref<10240x128xf32, #tpu.memory_space<hbm>> -> memref<128x128xf32, #tpu.memory_space<hbm>>
    %dma_wait3A_44 = arith.constant 0 : i32
    %dma_wait3A_45 = arith.constant 0 : i32
    %dma_wait3A_46 = tpu.memref_slice %arg4[%dma_wait3A_44, %dma_wait3A_45] : memref<10240x128xf32, #tpu.memory_space<hbm>> -> memref<128x128xf32, #tpu.memory_space<hbm>>
    tpu.wait_dma2 semaphore(%arg11 : memref<!tpu.dma_semaphore, #tpu.memory_space<semaphore_mem>>) src(%dma_wait3A_46 : memref<128x128xf32, #tpu.memory_space<hbm>>) dst(%arg8 : memref<128x128xf32, #tpu.memory_space<vmem>>)
    %run_scoped3A = arith.constant 38 : i32
    "tpu.region"() ({
      %run_scoped3A_59 = tpu.sem_alloc : memref<!tpu.dma_semaphore, #tpu.memory_space<semaphore_mem>>
      %dma_start3A_60 = arith.constant 0 : i32
      %dma_start3A_61 = tpu.memref_slice %arg7[%run_scoped3A, %dma_start3A_60] : memref<40x128xi32, #tpu.memory_space<vmem>> -> memref<1x128xi32, #tpu.memory_space<vmem>>
      %dma_start3A_62 = tpu.memref_squeeze %dma_start3A_61 : memref<1x128xi32, #tpu.memory_space<vmem>> -> memref<128xi32, #tpu.memory_space<vmem>>
      %dma_start3A_63 = arith.constant 0 : i32
      %dma_start3A_64 = arith.constant 0 : i32
      %dma_start3A_65 = tpu.memref_slice %arg10[%dma_start3A_63, %dma_start3A_64] : memref<10240x128xf32, #tpu.memory_space<vmem_shared>> -> memref<10240x128xf32, #tpu.memory_space<vmem_shared>>
      tpu.enqueue_indirect_dma source(%arg8 : memref<128x128xf32, #tpu.memory_space<vmem>>) target(%dma_start3A_65 : memref<10240x128xf32, #tpu.memory_space<vmem_shared>>) offsets(%dma_start3A_62 : memref<128xi32, #tpu.memory_space<vmem>>) semaphore(%run_scoped3A_59 : memref<!tpu.dma_semaphore, #tpu.memory_space<semaphore_mem>>) {add = true}
      %dma_wait3A_66 = arith.constant 0 : i32
      %dma_wait3A_67 = tpu.memref_slice %arg7[%run_scoped3A, %dma_wait3A_66] : memref<40x128xi32, #tpu.memory_space<vmem>> -> memref<1x128xi32, #tpu.memory_space<vmem>>
      %dma_wait3A_68 = tpu.memref_squeeze %dma_wait3A_67 : memref<1x128xi32, #tpu.memory_space<vmem>> -> memref<128xi32, #tpu.memory_space<vmem>>
      %dma_wait3A_69 = arith.constant 0 : i32
      %dma_wait3A_70 = arith.constant 0 : i32
      %dma_wait3A_71 = tpu.memref_slice %arg10[%dma_wait3A_69, %dma_wait3A_70] : memref<10240x128xf32, #tpu.memory_space<vmem_shared>> -> memref<10240x128xf32, #tpu.memory_space<vmem_shared>>
      tpu.wait_indirect_dma semaphore(%run_scoped3A_59 : memref<!tpu.dma_semaphore, #tpu.memory_space<semaphore_mem>>) src(%arg8 : memref<128x128xf32, #tpu.memory_space<vmem>>) dst(%dma_wait3A_71 : memref<10240x128xf32, #tpu.memory_space<vmem_shared>>)
      tpu.yield
    }) : () -> ()
    %dma_wait3A_47 = arith.constant 0 : i32
    %dma_wait3A_48 = arith.constant 0 : i32
    %dma_wait3A_49 = tpu.memref_slice %arg4[%dma_wait3A_47, %dma_wait3A_48] : memref<10240x128xf32, #tpu.memory_space<hbm>> -> memref<128x128xf32, #tpu.memory_space<hbm>>
    %dma_wait3A_50 = arith.constant 0 : i32
    %dma_wait3A_51 = arith.constant 0 : i32
    %dma_wait3A_52 = tpu.memref_slice %arg4[%dma_wait3A_50, %dma_wait3A_51] : memref<10240x128xf32, #tpu.memory_space<hbm>> -> memref<128x128xf32, #tpu.memory_space<hbm>>
    tpu.wait_dma2 semaphore(%arg12 : memref<!tpu.dma_semaphore, #tpu.memory_space<semaphore_mem>>) src(%dma_wait3A_52 : memref<128x128xf32, #tpu.memory_space<hbm>>) dst(%arg9 : memref<128x128xf32, #tpu.memory_space<vmem>>)
    %run_scoped3A_53 = arith.constant 39 : i32
    "tpu.region"() ({
      %run_scoped3A_59 = tpu.sem_alloc : memref<!tpu.dma_semaphore, #tpu.memory_space<semaphore_mem>>
      %dma_start3A_60 = arith.constant 0 : i32
      %dma_start3A_61 = tpu.memref_slice %arg7[%run_scoped3A_53, %dma_start3A_60] : memref<40x128xi32, #tpu.memory_space<vmem>> -> memref<1x128xi32, #tpu.memory_space<vmem>>
      %dma_start3A_62 = tpu.memref_squeeze %dma_start3A_61 : memref<1x128xi32, #tpu.memory_space<vmem>> -> memref<128xi32, #tpu.memory_space<vmem>>
      %dma_start3A_63 = arith.constant 0 : i32
      %dma_start3A_64 = arith.constant 0 : i32
      %dma_start3A_65 = tpu.memref_slice %arg10[%dma_start3A_63, %dma_start3A_64] : memref<10240x128xf32, #tpu.memory_space<vmem_shared>> -> memref<10240x128xf32, #tpu.memory_space<vmem_shared>>
      tpu.enqueue_indirect_dma source(%arg9 : memref<128x128xf32, #tpu.memory_space<vmem>>) target(%dma_start3A_65 : memref<10240x128xf32, #tpu.memory_space<vmem_shared>>) offsets(%dma_start3A_62 : memref<128xi32, #tpu.memory_space<vmem>>) semaphore(%run_scoped3A_59 : memref<!tpu.dma_semaphore, #tpu.memory_space<semaphore_mem>>) {add = true}
      %dma_wait3A_66 = arith.constant 0 : i32
      %dma_wait3A_67 = tpu.memref_slice %arg7[%run_scoped3A_53, %dma_wait3A_66] : memref<40x128xi32, #tpu.memory_space<vmem>> -> memref<1x128xi32, #tpu.memory_space<vmem>>
      %dma_wait3A_68 = tpu.memref_squeeze %dma_wait3A_67 : memref<1x128xi32, #tpu.memory_space<vmem>> -> memref<128xi32, #tpu.memory_space<vmem>>
      %dma_wait3A_69 = arith.constant 0 : i32
      %dma_wait3A_70 = arith.constant 0 : i32
      %dma_wait3A_71 = tpu.memref_slice %arg10[%dma_wait3A_69, %dma_wait3A_70] : memref<10240x128xf32, #tpu.memory_space<vmem_shared>> -> memref<10240x128xf32, #tpu.memory_space<vmem_shared>>
      tpu.wait_indirect_dma semaphore(%run_scoped3A_59 : memref<!tpu.dma_semaphore, #tpu.memory_space<semaphore_mem>>) src(%arg9 : memref<128x128xf32, #tpu.memory_space<vmem>>) dst(%dma_wait3A_71 : memref<10240x128xf32, #tpu.memory_space<vmem_shared>>)
      tpu.yield
    }) : () -> ()
    %barrier3A_54 = arith.constant 0 : index
    tpu.barrier barrier_id(%barrier3A_54)
    %mul3A_55 = arith.constant 640 : i32
    %mul3A_56 = arith.muli %arg1, %mul3A_55 : i32
    %mul3A_57 = arith.constant 640 : i32
    %mul3A_58 = arith.muli %arg1, %mul3A_57 : i32
    "tpu.region"() ({
      %run_scoped3A_59 = tpu.sem_alloc : memref<!tpu.dma_semaphore, #tpu.memory_space<semaphore_mem>>
      %dma_start3A_60 = arith.constant 0 : i32
      %dma_start3A_61 = tpu.memref_slice %arg5[%arg0, %mul3A_58, %dma_start3A_60] : memref<2x10240x128xf32, #tpu.memory_space<hbm>> -> memref<1x640x128xf32, #tpu.memory_space<hbm>>
      %dma_start3A_62 = tpu.memref_squeeze %dma_start3A_61 : memref<1x640x128xf32, #tpu.memory_space<hbm>> -> memref<640x128xf32, #tpu.memory_space<hbm>>
      %dma_start3A_63 = arith.constant 0 : i32
      %dma_start3A_64 = tpu.memref_slice %arg10[%mul3A_56, %dma_start3A_63] : memref<10240x128xf32, #tpu.memory_space<vmem_shared>> -> memref<640x128xf32, #tpu.memory_space<vmem_shared>>
      tpu.enqueue_dma source(%dma_start3A_64 : memref<640x128xf32, #tpu.memory_space<vmem_shared>>) target(%dma_start3A_62 : memref<640x128xf32, #tpu.memory_space<hbm>>) target_semaphore(%run_scoped3A_59 : memref<!tpu.dma_semaphore, #tpu.memory_space<semaphore_mem>>)
      %dma_wait3A_65 = arith.constant 0 : i32
      %dma_wait3A_66 = tpu.memref_slice %arg5[%arg0, %mul3A_58, %dma_wait3A_65] : memref<2x10240x128xf32, #tpu.memory_space<hbm>> -> memref<1x640x128xf32, #tpu.memory_space<hbm>>
      %dma_wait3A_67 = tpu.memref_squeeze %dma_wait3A_66 : memref<1x640x128xf32, #tpu.memory_space<hbm>> -> memref<640x128xf32, #tpu.memory_space<hbm>>
      %dma_wait3A_68 = arith.constant 0 : i32
      %dma_wait3A_69 = tpu.memref_slice %arg10[%mul3A_56, %dma_wait3A_68] : memref<10240x128xf32, #tpu.memory_space<vmem_shared>> -> memref<640x128xf32, #tpu.memory_space<vmem_shared>>
      tpu.wait_dma2 semaphore(%run_scoped3A_59 : memref<!tpu.dma_semaphore, #tpu.memory_space<semaphore_mem>>) src(%dma_wait3A_69 : memref<640x128xf32, #tpu.memory_space<vmem_shared>>) dst(%dma_wait3A_67 : memref<640x128xf32, #tpu.memory_space<hbm>>)
      tpu.yield
    }) : () -> ()
    return
  }
}

module attributes {stable_mosaic.version = 14 : i64} {
  func.func @_mm1_deg_body(%arg0: i32, %arg1: memref<512x128xf32, #tpu.memory_space<vmem>>, %arg2: memref<128x128xf32, #tpu.memory_space<vmem>>, %arg3: memref<1x512x128xf32, #tpu.memory_space<vmem>>, %arg4: memref<1x512x128xf32, #tpu.memory_space<vmem>>, %arg5: memref<512x128xf32, #tpu.memory_space<vmem>>, %arg6: memref<512x8xf32, #tpu.memory_space<vmem>>) attributes {dimension_semantics = [#tpu.dimension_semantics<arbitrary>], iteration_bounds = array<i64: 20>, scalar_prefetch = 0 : i64, scratch_operands = 0 : i64, tpu.core_type = #tpu.core_type<tc>, window_params = [{transform_indices = @transform_0, window_bounds = array<i64: 512, 128>}, {pipeline_mode = #tpu.pipeline_mode<synchronous>, transform_indices = @transform_1, window_bounds = array<i64: 128, 128>}, {transform_indices = @transform_2, window_bounds = array<i64: 1, 512, 128>}, {transform_indices = @transform_3, window_bounds = array<i64: 1, 512, 128>}, {transform_indices = @transform_4, window_bounds = array<i64: 512, 128>}, {transform_indices = @transform_5, window_bounds = array<i64: 512, 8>}]} {
    %get3A = arith.constant 0 : index
    %get3A_0 = arith.constant 0 : index
    %get3A_1 = arith.constant 0 : index
    %get3A_2 = vector.load %arg3[%get3A, %get3A_0, %get3A_1] : memref<1x512x128xf32, #tpu.memory_space<vmem>>, vector<1x512x1xf32>
    %get3A_3 = vector.shape_cast %get3A_2 : vector<1x512x1xf32> to vector<512x1xf32>
    %get3A_4 = arith.constant 0 : index
    %get3A_5 = arith.constant 0 : index
    %get3A_6 = arith.constant 0 : index
    %get3A_7 = vector.load %arg4[%get3A_4, %get3A_5, %get3A_6] : memref<1x512x128xf32, #tpu.memory_space<vmem>>, vector<1x512x1xf32>
    %get3A_8 = vector.shape_cast %get3A_7 : vector<1x512x1xf32> to vector<512x1xf32>
    %add3A = arith.addf %get3A_3, %get3A_8 : vector<512x1xf32>
    %add3A_9 = arith.constant 1.000000e+00 : f32
    %add3A_10 = vector.broadcast %add3A_9 : f32 to vector<512x1xf32>
    %add3A_11 = arith.addf %add3A, %add3A_10 : vector<512x1xf32>
    %rsqrt3A = math.rsqrt %add3A_11 : vector<512x1xf32>
    %get3A_12 = arith.constant 0 : index
    %get3A_13 = arith.constant 0 : index
    %get3A_14 = vector.load %arg1[%get3A_12, %get3A_13] : memref<512x128xf32, #tpu.memory_space<vmem>>, vector<512x128xf32>
    %get3A_15 = arith.constant 0 : index
    %get3A_16 = arith.constant 0 : index
    %get3A_17 = vector.load %arg2[%get3A_15, %get3A_16] : memref<128x128xf32, #tpu.memory_space<vmem>>, vector<128x128xf32>
    %dot_general3A = arith.constant dense<0.000000e+00> : vector<512x128xf32>
    %dot_general3A_18 = tpu.matmul %get3A_14, %get3A_17, %dot_general3A {dimension_numbers = #tpu.dot_dimension_numbers<[1], [0], [0], [1], [0, 0, 1, 1], [], []>, transpose_lhs_hint = false} : vector<512x128xf32>, vector<128x128xf32>, vector<512x128xf32> -> vector<512x128xf32>
    %mul3A = arith.constant 512 : i32
    %mul3A_19 = arith.muli %arg0, %mul3A : i32
    %iota3A = tpu.iota {dimensions = array<i32: 0>} : vector<512x128xi32>
    %add3A_20 = vector.broadcast %mul3A_19 : i32 to vector<512x128xi32>
    %add3A_21 = arith.addi %add3A_20, %iota3A : vector<512x128xi32>
    %lt3A = arith.constant 10000 : i32
    %lt3A_22 = vector.broadcast %lt3A : i32 to vector<512x128xi32>
    %lt3A_23 = arith.cmpi slt, %add3A_21, %lt3A_22 : vector<512x128xi32>
    %mul3A_24 = vector.broadcast %rsqrt3A : vector<512x1xf32> to vector<512x128xf32>
    %mul3A_25 = arith.mulf %dot_general3A_18, %mul3A_24 : vector<512x128xf32>
    %jit3A = arith.constant 0.000000e+00 : f32
    %broadcast_in_dim3A = vector.broadcast %jit3A : f32 to vector<512x128xf32>
    %select_n3A = arith.select %lt3A_23, %mul3A_25, %broadcast_in_dim3A : vector<512x128xi1>, vector<512x128xf32>
    %swap3A = arith.constant 0 : index
    %swap3A_26 = arith.constant 0 : index
    %swap3A_27 = vector.load %arg5[%swap3A, %swap3A_26] : memref<512x128xf32, #tpu.memory_space<vmem>>, vector<512x128xf32>
    tpu.vector_store %arg5[%swap3A, %swap3A_26], %select_n3A {strides = array<i32>} : memref<512x128xf32, #tpu.memory_space<vmem>>, vector<512x128xf32>,
    %broadcast_in_dim3A_28 = vector.shape_cast %rsqrt3A : vector<512x1xf32> to vector<512x1xf32>
    %broadcast_in_dim3A_29 = vector.broadcast %broadcast_in_dim3A_28 : vector<512x1xf32> to vector<512x8xf32>
    %swap3A_30 = arith.constant 0 : index
    %swap3A_31 = arith.constant 0 : index
    %swap3A_32 = vector.load %arg6[%swap3A_30, %swap3A_31] : memref<512x8xf32, #tpu.memory_space<vmem>>, vector<512x8xf32>
    tpu.vector_store %arg6[%swap3A_30, %swap3A_31], %broadcast_in_dim3A_29 {strides = array<i32>} : memref<512x8xf32, #tpu.memory_space<vmem>>, vector<512x8xf32>,
    return
  }
  func.func @transform_0(%arg0: i32) -> (i32, i32) {
    %c0_i32 = arith.constant 0 : i32
    %c0_i32_0 = arith.constant 0 : i32
    return %arg0, %c0_i32 : i32, i32
  }
  func.func @transform_1(%arg0: i32) -> (i32, i32) {
    %c0_i32 = arith.constant 0 : i32
    %c0_i32_0 = arith.constant 0 : i32
    %c0_i32_1 = arith.constant 0 : i32
    return %c0_i32, %c0_i32_0 : i32, i32
  }
  func.func @transform_2(%arg0: i32) -> (i32, i32, i32) {
    %c0_i32 = arith.constant 0 : i32
    %c0_i32_0 = arith.constant 0 : i32
    %c0_i32_1 = arith.constant 0 : i32
    return %c0_i32, %arg0, %c0_i32_0 : i32, i32, i32
  }
  func.func @transform_3(%arg0: i32) -> (i32, i32, i32) {
    %c1_i32 = arith.constant 1 : i32
    %c0_i32 = arith.constant 0 : i32
    %c0_i32_0 = arith.constant 0 : i32
    return %c1_i32, %arg0, %c0_i32 : i32, i32, i32
  }
  func.func @transform_4(%arg0: i32) -> (i32, i32) {
    %c0_i32 = arith.constant 0 : i32
    %c0_i32_0 = arith.constant 0 : i32
    return %arg0, %c0_i32 : i32, i32
  }
  func.func @transform_5(%arg0: i32) -> (i32, i32) {
    %c0_i32 = arith.constant 0 : i32
    %c0_i32_0 = arith.constant 0 : i32
    return %arg0, %c0_i32 : i32, i32
  }
}

module attributes {stable_mosaic.version = 14 : i64} {
  func.func @_mm2_body(%arg0: i32, %arg1: memref<1x512x128xf32, #tpu.memory_space<vmem>>, %arg2: memref<1x512x128xf32, #tpu.memory_space<vmem>>, %arg3: memref<512x128xf32, #tpu.memory_space<vmem>>, %arg4: memref<512x8xf32, #tpu.memory_space<vmem>>, %arg5: memref<1x128xf32, #tpu.memory_space<vmem>>, %arg6: memref<128x128xf32, #tpu.memory_space<vmem>>, %arg7: memref<512x128xf32, #tpu.memory_space<vmem>>) attributes {dimension_semantics = [#tpu.dimension_semantics<arbitrary>], iteration_bounds = array<i64: 20>, scalar_prefetch = 0 : i64, scratch_operands = 0 : i64, tpu.core_type = #tpu.core_type<tc>, window_params = [{transform_indices = @transform_0, window_bounds = array<i64: 1, 512, 128>}, {transform_indices = @transform_1, window_bounds = array<i64: 1, 512, 128>}, {transform_indices = @transform_2, window_bounds = array<i64: 512, 128>}, {transform_indices = @transform_3, window_bounds = array<i64: 512, 8>}, {pipeline_mode = #tpu.pipeline_mode<synchronous>, transform_indices = @transform_4, window_bounds = array<i64: 1, 128>}, {pipeline_mode = #tpu.pipeline_mode<synchronous>, transform_indices = @transform_5, window_bounds = array<i64: 128, 128>}, {transform_indices = @transform_6, window_bounds = array<i64: 512, 128>}]} {
    %get3A = arith.constant 0 : index
    %get3A_0 = arith.constant 0 : index
    %get3A_1 = vector.load %arg4[%get3A, %get3A_0] : memref<512x8xf32, #tpu.memory_space<vmem>>, vector<512x1xf32>
    %get3A_2 = arith.constant 0 : index
    %get3A_3 = arith.constant 0 : index
    %get3A_4 = arith.constant 0 : index
    %get3A_5 = vector.load %arg1[%get3A_2, %get3A_3, %get3A_4] : memref<1x512x128xf32, #tpu.memory_space<vmem>>, vector<1x512x128xf32>
    %get3A_6 = vector.shape_cast %get3A_5 : vector<1x512x128xf32> to vector<512x128xf32>
    %get3A_7 = arith.constant 0 : index
    %get3A_8 = arith.constant 0 : index
    %get3A_9 = arith.constant 0 : index
    %get3A_10 = vector.load %arg2[%get3A_7, %get3A_8, %get3A_9] : memref<1x512x128xf32, #tpu.memory_space<vmem>>, vector<1x512x128xf32>
    %get3A_11 = vector.shape_cast %get3A_10 : vector<1x512x128xf32> to vector<512x128xf32>
    %add3A = arith.addf %get3A_6, %get3A_11 : vector<512x128xf32>
    %get3A_12 = arith.constant 0 : index
    %get3A_13 = arith.constant 0 : index
    %get3A_14 = vector.load %arg3[%get3A_12, %get3A_13] : memref<512x128xf32, #tpu.memory_space<vmem>>, vector<512x128xf32>
    %add3A_15 = arith.addf %add3A, %get3A_14 : vector<512x128xf32>
    %mul3A = vector.broadcast %get3A_1 : vector<512x1xf32> to vector<512x128xf32>
    %mul3A_16 = arith.mulf %add3A_15, %mul3A : vector<512x128xf32>
    %get3A_17 = arith.constant 0 : index
    %get3A_18 = arith.constant 0 : index
    %get3A_19 = vector.load %arg5[%get3A_17, %get3A_18] : memref<1x128xf32, #tpu.memory_space<vmem>>, vector<1x128xf32>
    %add3A_20 = vector.broadcast %get3A_19 : vector<1x128xf32> to vector<512x128xf32>
    %add3A_21 = arith.addf %mul3A_16, %add3A_20 : vector<512x128xf32>
    %max3A = arith.constant 0.000000e+00 : f32
    %max3A_22 = vector.broadcast %max3A : f32 to vector<512x128xf32>
    %max3A_23 = arith.maximumf %add3A_21, %max3A_22 : vector<512x128xf32>
    %get3A_24 = arith.constant 0 : index
    %get3A_25 = arith.constant 0 : index
    %get3A_26 = vector.load %arg6[%get3A_24, %get3A_25] : memref<128x128xf32, #tpu.memory_space<vmem>>, vector<128x128xf32>
    %dot_general3A = arith.constant dense<0.000000e+00> : vector<512x128xf32>
    %dot_general3A_27 = tpu.matmul %max3A_23, %get3A_26, %dot_general3A {dimension_numbers = #tpu.dot_dimension_numbers<[1], [0], [0], [1], [0, 0, 1, 1], [], []>, transpose_lhs_hint = false} : vector<512x128xf32>, vector<128x128xf32>, vector<512x128xf32> -> vector<512x128xf32>
    %mul3A_28 = arith.constant 512 : i32
    %mul3A_29 = arith.muli %arg0, %mul3A_28 : i32
    %iota3A = tpu.iota {dimensions = array<i32: 0>} : vector<512x128xi32>
    %add3A_30 = vector.broadcast %mul3A_29 : i32 to vector<512x128xi32>
    %add3A_31 = arith.addi %add3A_30, %iota3A : vector<512x128xi32>
    %lt3A = arith.constant 10000 : i32
    %lt3A_32 = vector.broadcast %lt3A : i32 to vector<512x128xi32>
    %lt3A_33 = arith.cmpi slt, %add3A_31, %lt3A_32 : vector<512x128xi32>
    %mul3A_34 = vector.broadcast %get3A_1 : vector<512x1xf32> to vector<512x128xf32>
    %mul3A_35 = arith.mulf %dot_general3A_27, %mul3A_34 : vector<512x128xf32>
    %jit3A = arith.constant 0.000000e+00 : f32
    %broadcast_in_dim3A = vector.broadcast %jit3A : f32 to vector<512x128xf32>
    %select_n3A = arith.select %lt3A_33, %mul3A_35, %broadcast_in_dim3A : vector<512x128xi1>, vector<512x128xf32>
    %swap3A = arith.constant 0 : index
    %swap3A_36 = arith.constant 0 : index
    %swap3A_37 = vector.load %arg7[%swap3A, %swap3A_36] : memref<512x128xf32, #tpu.memory_space<vmem>>, vector<512x128xf32>
    tpu.vector_store %arg7[%swap3A, %swap3A_36], %select_n3A {strides = array<i32>} : memref<512x128xf32, #tpu.memory_space<vmem>>, vector<512x128xf32>,
    return
  }
  func.func @transform_0(%arg0: i32) -> (i32, i32, i32) {
    %c0_i32 = arith.constant 0 : i32
    %c0_i32_0 = arith.constant 0 : i32
    %c0_i32_1 = arith.constant 0 : i32
    return %c0_i32, %arg0, %c0_i32_0 : i32, i32, i32
  }
  func.func @transform_1(%arg0: i32) -> (i32, i32, i32) {
    %c1_i32 = arith.constant 1 : i32
    %c0_i32 = arith.constant 0 : i32
    %c0_i32_0 = arith.constant 0 : i32
    return %c1_i32, %arg0, %c0_i32 : i32, i32, i32
  }
  func.func @transform_2(%arg0: i32) -> (i32, i32) {
    %c0_i32 = arith.constant 0 : i32
    %c0_i32_0 = arith.constant 0 : i32
    return %arg0, %c0_i32 : i32, i32
  }
  func.func @transform_3(%arg0: i32) -> (i32, i32) {
    %c0_i32 = arith.constant 0 : i32
    %c0_i32_0 = arith.constant 0 : i32
    return %arg0, %c0_i32 : i32, i32
  }
  func.func @transform_4(%arg0: i32) -> (i32, i32) {
    %c0_i32 = arith.constant 0 : i32
    %c0_i32_0 = arith.constant 0 : i32
    %c0_i32_1 = arith.constant 0 : i32
    return %c0_i32, %c0_i32_0 : i32, i32
  }
  func.func @transform_5(%arg0: i32) -> (i32, i32) {
    %c0_i32 = arith.constant 0 : i32
    %c0_i32_0 = arith.constant 0 : i32
    %c0_i32_1 = arith.constant 0 : i32
    return %c0_i32, %c0_i32_0 : i32, i32
  }
  func.func @transform_6(%arg0: i32) -> (i32, i32) {
    %c0_i32 = arith.constant 0 : i32
    %c0_i32_0 = arith.constant 0 : i32
    return %arg0, %c0_i32 : i32, i32
  }
}

module attributes {stable_mosaic.version = 14 : i64} {
  func.func @_fin_body(%arg0: i32, %arg1: memref<1x512x128xf32, #tpu.memory_space<vmem>>, %arg2: memref<1x512x128xf32, #tpu.memory_space<vmem>>, %arg3: memref<512x128xf32, #tpu.memory_space<vmem>>, %arg4: memref<512x8xf32, #tpu.memory_space<vmem>>, %arg5: memref<1x128xf32, #tpu.memory_space<vmem>>, %arg6: memref<512x128xf32, #tpu.memory_space<vmem>>) attributes {dimension_semantics = [#tpu.dimension_semantics<arbitrary>], iteration_bounds = array<i64: 20>, scalar_prefetch = 0 : i64, scratch_operands = 0 : i64, tpu.core_type = #tpu.core_type<tc>, window_params = [{transform_indices = @transform_0, window_bounds = array<i64: 1, 512, 128>}, {transform_indices = @transform_1, window_bounds = array<i64: 1, 512, 128>}, {transform_indices = @transform_2, window_bounds = array<i64: 512, 128>}, {transform_indices = @transform_3, window_bounds = array<i64: 512, 8>}, {pipeline_mode = #tpu.pipeline_mode<synchronous>, transform_indices = @transform_4, window_bounds = array<i64: 1, 128>}, {transform_indices = @transform_5, window_bounds = array<i64: 512, 128>}]} {
    %get3A = arith.constant 0 : index
    %get3A_0 = arith.constant 0 : index
    %get3A_1 = vector.load %arg4[%get3A, %get3A_0] : memref<512x8xf32, #tpu.memory_space<vmem>>, vector<512x1xf32>
    %get3A_2 = arith.constant 0 : index
    %get3A_3 = arith.constant 0 : index
    %get3A_4 = arith.constant 0 : index
    %get3A_5 = vector.load %arg1[%get3A_2, %get3A_3, %get3A_4] : memref<1x512x128xf32, #tpu.memory_space<vmem>>, vector<1x512x128xf32>
    %get3A_6 = vector.shape_cast %get3A_5 : vector<1x512x128xf32> to vector<512x128xf32>
    %get3A_7 = arith.constant 0 : index
    %get3A_8 = arith.constant 0 : index
    %get3A_9 = arith.constant 0 : index
    %get3A_10 = vector.load %arg2[%get3A_7, %get3A_8, %get3A_9] : memref<1x512x128xf32, #tpu.memory_space<vmem>>, vector<1x512x128xf32>
    %get3A_11 = vector.shape_cast %get3A_10 : vector<1x512x128xf32> to vector<512x128xf32>
    %add3A = arith.addf %get3A_6, %get3A_11 : vector<512x128xf32>
    %get3A_12 = arith.constant 0 : index
    %get3A_13 = arith.constant 0 : index
    %get3A_14 = vector.load %arg3[%get3A_12, %get3A_13] : memref<512x128xf32, #tpu.memory_space<vmem>>, vector<512x128xf32>
    %add3A_15 = arith.addf %add3A, %get3A_14 : vector<512x128xf32>
    %mul3A = vector.broadcast %get3A_1 : vector<512x1xf32> to vector<512x128xf32>
    %mul3A_16 = arith.mulf %add3A_15, %mul3A : vector<512x128xf32>
    %get3A_17 = arith.constant 0 : index
    %get3A_18 = arith.constant 0 : index
    %get3A_19 = vector.load %arg5[%get3A_17, %get3A_18] : memref<1x128xf32, #tpu.memory_space<vmem>>, vector<1x128xf32>
    %add3A_20 = vector.broadcast %get3A_19 : vector<1x128xf32> to vector<512x128xf32>
    %add3A_21 = arith.addf %mul3A_16, %add3A_20 : vector<512x128xf32>
    %swap3A = arith.constant 0 : index
    %swap3A_22 = arith.constant 0 : index
    %swap3A_23 = vector.load %arg6[%swap3A, %swap3A_22] : memref<512x128xf32, #tpu.memory_space<vmem>>, vector<512x128xf32>
    tpu.vector_store %arg6[%swap3A, %swap3A_22], %add3A_21 {strides = array<i32>} : memref<512x128xf32, #tpu.memory_space<vmem>>, vector<512x128xf32>,
    return
  }
  func.func @transform_0(%arg0: i32) -> (i32, i32, i32) {
    %c0_i32 = arith.constant 0 : i32
    %c0_i32_0 = arith.constant 0 : i32
    %c0_i32_1 = arith.constant 0 : i32
    return %c0_i32, %arg0, %c0_i32_0 : i32, i32, i32
  }
  func.func @transform_1(%arg0: i32) -> (i32, i32, i32) {
    %c1_i32 = arith.constant 1 : i32
    %c0_i32 = arith.constant 0 : i32
    %c0_i32_0 = arith.constant 0 : i32
    return %c1_i32, %arg0, %c0_i32 : i32, i32, i32
  }
  func.func @transform_2(%arg0: i32) -> (i32, i32) {
    %c0_i32 = arith.constant 0 : i32
    %c0_i32_0 = arith.constant 0 : i32
    return %arg0, %c0_i32 : i32, i32
  }
  func.func @transform_3(%arg0: i32) -> (i32, i32) {
    %c0_i32 = arith.constant 0 : i32
    %c0_i32_0 = arith.constant 0 : i32
    return %arg0, %c0_i32 : i32, i32
  }
  func.func @transform_4(%arg0: i32) -> (i32, i32) {
    %c0_i32 = arith.constant 0 : i32
    %c0_i32_0 = arith.constant 0 : i32
    %c0_i32_1 = arith.constant 0 : i32
    return %c0_i32, %c0_i32_0 : i32, i32
  }
  func.func @transform_5(%arg0: i32) -> (i32, i32) {
    %c0_i32 = arith.constant 0 : i32
    %c0_i32_0 = arith.constant 0 : i32
    return %arg0, %c0_i32 : i32, i32
  }
}

</mosaic_0001>

<sc_bundles>
// kernel: _run.11.cloned.1.call-start
scs
__scs_entry_jumppad:
0x0: {  	(pc) =	sbr.rel $0x88, $3  }
0x1: {  	(tag) =	ssettag $0x0;
	lr =	simm.s32 $0x1  }
0x2: {  	[smem:$0x3F9B] =	sst lr;
	_ =	strace $0xD0000000  }
0x3: {  	_ = 	snop  }
0x4: {  	_ = 	snop  }
0x5: {  	_ = 	snop  }
0x6: {  	_ = 	snop  }
0x7: {  	_ = 	snop  }
__scs_overlays_trampoline_lowered:
0x8: {  	[smem:$0x3FAA] =	sst s0  }
0x9: {  	[smem:$0x3FAB] =	sst s1  }
0xa: {  	[smem:$0x3FAC] =	sst s2  }
0xb: {  	[smem:$0x3FAD] =	sst s3  }
0xc: {  	[smem:$0x3FAE] =	sst s4  }
0xd: {  	[smem:$0x3FAF] =	sst s5  }
0xe: {  	[smem:$0x3FB0] =	sst s6  }
0xf: {  	[smem:$0x3FB1] =	sst s7  }
0x10: {  	[smem:$0x3FB2] =	sst s8  }
0x11: {  	[smem:$0x3FB3] =	sst s9;
	s0 =	simm.s32 @!p0 $0x0  }
0x12: {  	s1 =	sld [smem:$0x3F99];
	s0 =	simm.s32 @p0 $0x1  }
0x13: {  	[smem:$0x3FB4] =	sst s0;
	s0 =	simm.s32 @!p1 $0x0  }
0x14: {  	s2 =	sld [smem:$0x3F98];
	s0 =	simm.s32 @p1 $0x1  }
0x15: {  	[smem:$0x3FB5] =	sst s0;
	s0 =	simm.s32 @!p2 $0x0  }
0x16: {  	s3 =	sld [smem:$0x3FDB];
	s0 =	simm.s32 @p2 $0x1  }
0x17: {  	s4 =	simm.s32 $0x1BF5;
	[smem:$0x3FB7] =	sst s0  }
0x18: {  	s0 =	sld [smem:$0x3F9A];
	_ =	swait.ge [sflag:s4], $0x0  }
0x19: {  	s7 =	sld [smem:$0x3F9B]  }
0x1a: {  	s8 =	sadd.s32 $0xFFFFE003, lr  }
0x1b: {  	s9 =	sadd.s32 $0xFFFFFEF7, lr;
	s5 =	simm.s32 $0xFFFFFFFF;
	p2 =	slt.u32 s8, $0xFFFFF086  }
0x1c: {  	p1 =	slt.u32 s9, $0xF7A;
	s5 =	simm.s32 @!p2 $0x0  }
0x1d: {  	s5 =	simm.s32 @p1 $0x1;
	p0 =	seq.s32 s7, s2  }
0x1e: {  	s7 =	smul.u32 @!p0 $0xF7A, s2;
	p2 =	seq.s32 @!p0 s5, $0x0  }
0x1f: {  	s9 =	smul.u32 $0xF7A, s1;
	s8 =	simm.s32 @!p0 $0x1BF5;
	p2 =	por !p2, p0  }
0x20: {  	[sflag:s8] =	ssyncset.s32 @!p0 $0xFFFFF086;
	s6 =	sadd.s32 @!p0 s3, s7;
	s7 =	simm.s32 @!p0 $0x108  }
0x21: {  	s3 =	sadd.s32 s3, s9;
	s6 =	sadd.s32 @!p0 $0x88, s6;
	s7 =	simm.s32 @p2 $0x1082  }
0x22: {  	[simem:s7], [sflag:s8] =	dma.local @!p0 [hbm:s6], $0xF7A  }
0x23: {  	s9 =	sor.u32 $0xD0000000, s2;
	s6 =	simm.s32 $0x108;
	_ =	swait.ge @!p0 [sflag:s8], $0x0  }
0x24: {  	s3 =	sadd.s32 $0x88, s3;
	s6 =	simm.s32 @!p1 $0x1082;
	[sflag:s4] =	ssyncset.s32 $0xFFFFF086  }
0x25: {  	[simem:s6], [sflag:s4] =	dma.local [hbm:s3], $0xF7A  }
0x26: {  	[smem:$0x3F9B] =	sst s1;
	(tag) =	ssettag s2;
	_ =	strace s9  }
0x27: {  	s1 =	sld [smem:$0x3FAB]  }
0x28: {  	s2 =	sld [smem:$0x3FAC]  }
0x29: {  	s4 =	sld [smem:$0x3FAE]  }
0x2a: {  	p0 =	seq.s32 s5, $0x0;
	s5 =	sld [smem:$0x3FAF]  }
0x2b: {  	s6 =	sld [smem:$0x3FB0]  }
0x2c: {  	s7 =	sld [smem:$0x3FB1]  }
0x2d: {  	s3 =	simm.s32 $0x108;
	s8 =	sld [smem:$0x3FB2]  }
0x2e: {  	s3 =	simm.s32 @!p0 $0x1082;
	s9 =	sld [smem:$0x3FB3]  }
0x2f: {  	lr =	sadd.s32 s0, s3;
	s0 =	sld [smem:$0x3FAA]  }
0x30: {  	s3 =	sld [smem:$0x3FAD]  }
0x31: {  	[smem:$0x3FB6] =	sst s10  }
0x32: {  	s10 =	sld [smem:$0x3FB4];
	_ =	sdelay $0x3  }
0x33: {  	p0 =	seq.s32 s10, $0x1;
	s10 =	sld [smem:$0x3FB6];
	_ =	sdelay $0x3  }
0x34: {  	[smem:$0x3FB6] =	sst s10  }
0x35: {  	s10 =	sld [smem:$0x3FB5];
	_ =	sdelay $0x3  }
0x36: {  	p1 =	seq.s32 s10, $0x1;
	s10 =	sld [smem:$0x3FB6];
	_ =	sdelay $0x3  }
0x37: {  	[smem:$0x3FB6] =	sst s10  }
0x38: {  	s10 =	sld [smem:$0x3FB7]  }
0x39: {  	_ = 	snop;
	(pc) =	sbr.ind lr, $3  }
0x3a: {  	_ = 	snop  }
0x3b: {  	_ = 	snop  }
0x3c: {  	p2 =	seq.s32 s10, $0x1;
	s10 =	sld [smem:$0x3FB6]  }
0x3d: {  	_ =	shalt  }
0x3e: {  	_ =	shalt  }
0x3f: {  	_ =	shalt  }
0x40: {  	_ =	shalt  }
0x41: {  	_ =	shalt  }
0x42: {  	_ =	shalt  }
0x43: {  	_ =	shalt  }
0x44: {  	_ =	shalt  }
0x45: {  	_ =	shalt  }
0x46: {  	_ =	shalt  }
0x47: {  	_ =	shalt  }
0x48: {  	_ =	shalt  }
0x49: {  	_ =	shalt  }
0x4a: {  	_ =	shalt  }
0x4b: {  	_ =	shalt  }
0x4c: {  	_ =	shalt  }
0x4d: {  	_ =	shalt  }
0x4e: {  	_ =	shalt  }
0x4f: {  	_ =	shalt  }
0x50: {  	_ =	shalt  }
0x51: {  	_ =	shalt  }
0x52: {  	_ =	shalt  }
0x53: {  	_ =	shalt  }
0x54: {  	_ =	shalt  }
0x55: {  	_ =	shalt  }
0x56: {  	_ =	shalt  }
0x57: {  	_ =	shalt  }
0x58: {  	_ =	shalt  }
0x59: {  	_ =	shalt  }
0x5a: {  	_ =	shalt  }
0x5b: {  	_ =	shalt  }
0x5c: {  	_ =	shalt  }
0x5d: {  	_ =	shalt  }
0x5e: {  	_ =	shalt  }
0x5f: {  	_ =	shalt  }
0x60: {  	_ =	shalt  }
0x61: {  	_ =	shalt  }
0x62: {  	_ =	shalt  }
0x63: {  	_ =	shalt  }
0x64: {  	_ =	shalt  }
0x65: {  	_ =	shalt  }
0x66: {  	_ =	shalt  }
0x67: {  	_ =	shalt  }
0x68: {  	_ =	shalt  }
0x69: {  	_ =	shalt  }
0x6a: {  	_ =	shalt  }
0x6b: {  	_ =	shalt  }
0x6c: {  	_ =	shalt  }
0x6d: {  	_ =	shalt  }
0x6e: {  	_ =	shalt  }
0x6f: {  	_ =	shalt  }
0x70: {  	_ =	shalt  }
0x71: {  	_ =	shalt  }
0x72: {  	_ =	shalt  }
0x73: {  	_ =	shalt  }
0x74: {  	_ =	shalt  }
0x75: {  	_ =	shalt  }
0x76: {  	_ =	shalt  }
0x77: {  	_ =	shalt  }
0x78: {  	_ =	shalt  }
0x79: {  	_ =	shalt  }
0x7a: {  	_ =	shalt  }
0x7b: {  	_ =	shalt  }
0x7c: {  	_ =	shalt  }
0x7d: {  	_ =	shalt  }
0x7e: {  	_ =	shalt  }
0x7f: {  	_ =	shalt  }
0x80: {  	_ =	shalt  }
0x81: {  	_ =	shalt  }
0x82: {  	_ =	shalt  }
0x83: {  	_ =	shalt  }
0x84: {  	_ =	shalt  }
0x85: {  	_ =	shalt  }
0x86: {  	_ =	shalt  }
0x87: {  	_ =	shalt  }
.Lfunc_end0:
.L_simem_size_0:
called_computation.1_lowered:
.L_overlay_start_0:
0x88: {  	s2 =	sld [smem:$0x3FD9]  }
0x89: {  	s3 =	sld [smem:$0x3FFE];
	_ =	sdelay $0x1  }
0x8a: {  	s1 =	srdreg.scid  }
0x8b: {  	s0 =	sand.u32 $0x1, s1  }
0x8c: {  	s17 =	sshll.u32 s0, $0xA;
	s2 =	sadd.s32 s3, s2  }
0x8d: {  	s2 =	sadd.s32 s2, s17  }
0x8e: {  	[smem:$0x3FC2] =	sst s2  }
0x8f: {  	_ = 	snop  }
0x90: {  	s2 =	sld [smem:$0x3FD0];
	(tm) =	ssettm $0x1  }
0x91: {  	s18 =	sld [smem:$0x3FFB];
	_ =	sdelay $0x3  }
0x92: {  	_ =	strace s18  }
0x93: {  	s3 =	sld [smem:$0x3FFC];
	_ =	sdelay $0x3  }
0x94: {  	_ =	strace s3  }
0x95: {  	s3 =	sld [smem:$0x3FFD];
	_ =	sdelay $0x3  }
0x96: {  	_ =	strace s3  }
0x97: {  	_ =	strace $0x8FFFFFFF  }
0x98: {  	s19 =	sld [smem:$0x3FDB];
	_ =	sdelay $0x1  }
0x99: {  	s4 =	simm.s32 $_scs_section_size  }
0x9a: {  	s5 =	simm.s32 $_size__tile_overlayer_lowered;
	s6 =	simm.s32 $_tile_overlayer_lowered  }
0x9b: {  	s22 =	simm.s32 $0x1BFF;
	s21 =	sshll.u32 s6, $0x1;
	s3 =	sadd.s32 s4, s19  }
0x9c: {  	s7 =	simm.s32 $0x0;
	s20 =	sshll.u32 s5, $0x1;
	s5 =	sadd.s32 s21, s3  }
0x9d: {  	[timem:s7], [sflag:s22] =	dma.local [hbm:s5], s20  }
0x9e: {  	_ =	swait.ge [sflag:s22], s20  }
0x9f: {  	s4 =	ssub.s32 $0x0, s20;
	[sflag:s22] =	ssyncset.done $0x0  }
0xa0: {  	[sflag:s22] =	ssyncadd.s32 s4;
	_ =	sdelay $0x1  }
0xa1: {  	s23 =	simm.s32 $0x1B8B  }
0xa2: {  	_ =	swait.ge [sflag:s23], $0x1  }
0xa3: {  	[sflag:s23] =	ssyncset.done $0x0  }
0xa4: {  	s25 =	simm.s32 $0x1B8E;
	s24 =	sld [smem:$0x3FFE];
	[sflag:s23] =	ssyncadd.s32 $0xFFFFFFFF  }
0xa5: {  	s26 =	simm.s32 $execute0_lowered;
	[smem:$0x3FD2] =	sst s25  }
0xa6: {  	s5 =	sshll.u32 s26, $0x1;
	_ =	strace $0x80000049;
	[dreg:$0x1] =	wrdreg $0xFFFFFFFF  }
0xa7: {  	s28 =	simm.s32 $_size_execute0_lowered;
	s3 =	sadd.s32 s3, s5;
	[dreg:$0x0] =	wrdreg $0x0  }
0xa8: {  	s5 =	sshll.u32 s28, $0x1;
	[dreg:$0x2] =	wrdreg s3  }
0xa9: {  	[dreg:$0x3] =	wrdreg s5  }
0xaa: {  	[dreg:$0x4] =	wrdreg $0xC0  }
0xab: {  	_ =	task [dreg:s7], $0x5FFFF  }
0xac: {  	[dreg:$0x1] =	wrdreg $0xFFFFFFFF  }
0xad: {  	[dreg:$0x0] =	wrdreg $0x60  }
0xae: {  	[dreg:$0x2] =	wrdreg s2  }
0xaf: {  	[dreg:$0x3] =	wrdreg s24  }
0xb0: {  	[dreg:$0x4] =	wrdreg $0xBC000  }
0xb1: {  	[dreg:$0x5] =	wrdreg $0x9  }
0xb2: {  	_ =	task.clear_ibuf [dreg:s7], $0x6FFFF;
	_ =	strace $0x90000049  }
0xb3: {  	s29 =	simm.s32 $0x9;
	_ =	strace $0x8000004B  }
0xb4: {  	_ =	swait.ge [sflag:s29], $0x1  }
0xb5: {  	[sflag:s29] =	ssyncadd.s32 $0xFFFFFFFF  }
0xb6: {  	_ =	strace $0x9000004B  }
0xb7: {  	_ =	sfence  }
0xb8: {  	s30 =	sld [smem:$0x0];
	_ =	sdelay $0x2  }
0xb9: {  	s31 =	sshll.u32 s1, $0xD;
	s1 =	sshrl.u32 s1, $0x2  }
0xba: {  	s3 =	sand.u32 $0x4000, s31;
	s1 =	sadd.s32 s1, s30  }
0xbb: {  	s0 =	sor.u32 s3, s0;
	s1 =	sshll.u32 s1, $0x11  }
0xbc: {  	s0 =	sor.u32 s1, s0  }
0xbd: {  	s0 =	sadd.s32 $0x8F2B, s0  }
0xbe: {  	[sflag:s0] =	ssyncadd.remote.s32 $0x1  }
0xbf: {  	_ =	sfence.sel $0xFFFF  }
0xc0: {  	[dreg:$0x0] =	wrdreg $0xFFFFFFFF;
	(pc) =	sbr.abs _section_cstart, $3  }
0xc1: {  	[dreg:$0x1] =	wrdreg $0xFFFFFFFF  }
0xc2: {  	_ =	task.clear_ibuf [dreg:s7], $0x2FFFF;
	_ =	strace $0x9FFFFFFF  }
0xc3: {  	(tm) =	ssettm $0x7FFFFFFF  }
tec
execute0_lowered:
.L_overlay_start_1:
0x0: {  	(tag) =	ssettag $0x1  }
0x1: {  	s5 =	rddreg [dreg:$0x0]  }
0x2: {  	s7 =	rddreg [dreg:$0x1]  }
0x3: {  	s0 =	srdreg.scid;
	s2 =	rddreg [dreg:$0x2]  }
0x4: {  	s1 =	rddreg [dreg:$0x3];
	s3 =	simm.s32 $0x0;
	s16 =	simm.s32 $0x3  }
0x5: {  	s17 =	simm.s32 $0x3C00;
	s18 =	simm.s32 $0x80;
	s19 =	simm.s32 $0x7C00  }
0x6: {  	s20 =	simm.s32 $0x2800;
	s21 =	simm.s32 $0x1;
	s6 =	sand.u32 $0x1, s0  }
0x7: {  	s22 =	simm.s32 $0x2;
	s0 =	stileid.u32;
	s4 =	smul.u32 $0x28000, s6  }
0x8: {  	s23 =	simm.s32 $0x3B00;
	s24 =	simm.s32 $0x3B80;
	s8 =	smul.u32 $0x2800, s0  }
0x9: {  	s26 =	simm.s32 $0x0;
	[smem:$0x7FF] =	sst s3;
	s9 =	smul.u32 $0x140000, s6  }
0xa: {  	s29 =	smul.u32 $0x14000, s0;
	_ =	strace $0x8000004A;
	s6 =	ssub.s32 $0x2, s6  }
0xb: {  	s30 =	smul.u32 $0x50000, s0;
	s25 =	sshll.u32 s0, $0x6;
	s31 =	sshrl.u32 s6, $0x1  }
0xc: {  	s25 =	sor.u32 $0x1C03, s25;
	s4 =	sadd.s32 s8, s4;
	s8 =	sadd.s32 s29, s9  }
0xd: {  	s9 =	sshrl.u32 s30, $0x2;
	s15 =	ssub.s32 s6, s31;
	s10 =	sshrl.u32 s4, $0x3  }
0xe: {  	s4 =	sadd.s32 $0xC400, s7;
	s8 =	sshrl.u32 s8, $0x3;
	s6 =	sadd.s32 s9, s2  }
0xf: {  	s15 =	smax.u32 s15, $0x1;
	s13 =	sadd.s32 s10, s7;
	s14 =	sadd.s32 s8, s7  }
0x10: {  	s5 =	sadd.s32 s5, s10;
	s7 =	sadd.s32 $0x33C00, s7;
	s8 =	sadd.s32 $0x4000, s6  }
0x11: {  	s9 =	sadd.s32 $0x8000, s6;
	s10 =	sadd.s32 $0xC000, s6;
	s11 =	sadd.s32 $0x10000, s6  }
0x12: {  	s12 =	sadd.s32 $0x2400, s13;
	s13 =	sadd.s32 $0x2680, s13;
	s14 =	sadd.s32 $0x34400, s14  }
.LBB2_1:
0x13: {  	[tilespmem:s3], [sflag:$0x3] =	stream.linear.gather [hbm4b:s5+s3], $0x2800, $0x38;
	[tilespmem:$0x1FC00] =	vst v63  }
0x14: {  	_ =	swait.ge [sflag:s16], $0x2800  }
0x15: {  	[sflag:s16] =	ssyncset.done $0x0  }
0x16: {  	[sflag:s16] =	ssyncadd.s32 $0xFFFFD800  }
0x17: {  	[tilespmem:s17], [sflag:$0x3] =	stream.linear.gather [hbm4b:s7+s3], $0x4000, $0x38;
	[tilespmem:$0x1FC00] =	vst v63  }
0x18: {  	_ =	swait.ge [sflag:s16], $0x4000  }
0x19: {  	[sflag:s16] =	ssyncset.done $0x0  }
0x1a: {  	[sflag:s16] =	ssyncadd.s32 $0xFFFFC000  }
0x1b: {  	[spmem:s6] =	stream.linear.scatter [tilespmem:s17], [sflag:$0x3], $0x4000, $0x38;
	[tilespmem:$0x1FC00] =	vst v63  }
0x1c: {  	_ =	swait.ge [sflag:s16], $0x4000  }
0x1d: {  	[sflag:s16] =	ssyncset.done $0x0  }
0x1e: {  	[sflag:s16] =	ssyncadd.s32 $0xFFFFC000  }
0x1f: {  	[spmem:s8] =	stream.linear.scatter [tilespmem:s17], [sflag:$0x3], $0x4000, $0x38;
	[tilespmem:$0x1FC00] =	vst v63  }
0x20: {  	_ =	swait.ge [sflag:s16], $0x4000  }
0x21: {  	[sflag:s16] =	ssyncset.done $0x0  }
0x22: {  	[sflag:s16] =	ssyncadd.s32 $0xFFFFC000  }
0x23: {  	[spmem:s9] =	stream.linear.scatter [tilespmem:s17], [sflag:$0x3], $0x4000, $0x38;
	[tilespmem:$0x1FC00] =	vst v63  }
0x24: {  	_ =	swait.ge [sflag:s16], $0x4000  }
0x25: {  	[sflag:s16] =	ssyncset.done $0x0  }
0x26: {  	[sflag:s16] =	ssyncadd.s32 $0xFFFFC000  }
0x27: {  	[spmem:s10] =	stream.linear.scatter [tilespmem:s17], [sflag:$0x3], $0x4000, $0x38;
	[tilespmem:$0x1FC00] =	vst v63  }
0x28: {  	_ =	swait.ge [sflag:s16], $0x4000  }
0x29: {  	[sflag:s16] =	ssyncset.done $0x0  }
0x2a: {  	[sflag:s16] =	ssyncadd.s32 $0xFFFFC000  }
0x2b: {  	[spmem:s11] =	stream.linear.scatter [tilespmem:s17], [sflag:$0x3], $0x4000, $0x38;
	[tilespmem:$0x1FC00] =	vst v63  }
0x2c: {  	_ =	swait.ge [sflag:s16], $0x4000  }
0x2d: {  	[sflag:s16] =	ssyncset.done $0x0  }
0x2e: {  	[sflag:s16] =	ssyncadd.s32 $0xFFFFC000  }
0x2f: {  	[bflag:$0x0] =	sbarrier.arrive $0xFFFF  }
0x30: {  	[tilespmem:s17], [sflag:$0x1] =	stream.indirect.gather [hbm4b:s4+s18], $0x80, s3, s18, $0xb8;
	[tilespmem:$0x1FC00] =	vst v63  }
0x31: {  	_ = 	snop  }
0x32: {  	[tilespmem:s19], [sflag:$0x2] =	stream.indirect.gather [hbm4b:s4+s18], $0x80, s18, s18, $0xb8;
	[tilespmem:$0x1FC00] =	vst v63  }
0x33: {  	_ = 	snop  }
0x34: {  	[tilespmem:s20], [sflag:$0x3] =	stream.linear.gather [hbm4b:s12+s3], $0x1400, $0x38;
	[tilespmem:$0x1FC00] =	vst v63  }
0x35: {  	_ =	swait.ge [sflag:s16], $0x1400  }
0x36: {  	[sflag:s16] =	ssyncset.done $0x0  }
0x37: {  	[sflag:s16] =	ssyncadd.s32 $0xFFFFEC00  }
0x38: {  	_ =	swait.ge [sflag:s21], $0x4000  }
0x39: {  	[sflag:s21] =	ssyncset.done $0x0  }
0x3a: {  	s28 =	simm.s32 $0x2800;
	[sflag:s21] =	ssyncadd.s32 $0xFFFFC000  }
0x3b: {  	[spmem:s2] =	stream.indirect.scatter.add.f32 [tilespmem:s17], [sflag:$0x3], $0x80, s28, s18, $0xb8;
	[tilespmem:$0x1FC00] =	vst v63  }
0x3c: {  	_ =	swait.ge [sflag:s16], $0x4000  }
0x3d: {  	[sflag:s16] =	ssyncset.done $0x0  }
0x3e: {  	s28 =	simm.s32 $0x100;
	[sflag:s16] =	ssyncadd.s32 $0xFFFFC000  }
0x3f: {  	[tilespmem:s17], [sflag:$0x1] =	stream.indirect.gather [hbm4b:s4+s18], $0x80, s28, s18, $0xb8;
	[tilespmem:$0x1FC00] =	vst v63  }
0x40: {  	_ =	swait.ge [sflag:s22], $0x4000  }
0x41: {  	[sflag:s22] =	ssyncset.done $0x0  }
0x42: {  	s28 =	simm.s32 $0x2880;
	[sflag:s22] =	ssyncadd.s32 $0xFFFFC000  }
0x43: {  	[spmem:s2] =	stream.indirect.scatter.add.f32 [tilespmem:s19], [sflag:$0x3], $0x80, s28, s18, $0xb8;
	[tilespmem:$0x1FC00] =	vst v63  }
0x44: {  	_ =	swait.ge [sflag:s16], $0x4000  }
0x45: {  	[sflag:s16] =	ssyncset.done $0x0  }
0x46: {  	s29 =	simm.s32 $0x180;
	s28 =	simm.s32 $0x400;
	[sflag:s16] =	ssyncadd.s32 $0xFFFFC000  }
.LBB2_2:
0x47: {  	[tilespmem:s19], [sflag:$0x2] =	stream.indirect.gather [hbm4b:s4+s18], $0x80, s29, s18, $0xb8;
	[tilespmem:$0x1FC00] =	vst v63  }
0x48: {  	s29 =	smov.u32 s28  }
0x49: {  	p0 =	sne.s32 s28, $0x4C00;
	s28 =	sadd.s32 $0x400, s28;
	_ =	swait.ge [sflag:s21], $0x4000  }
0x4a: {  	s29 =	sshra.s32 s29, $0x2;
	[sflag:s21] =	ssyncset.done $0x0  }
0x4b: {  	s30 =	sadd.s32 $0x2800, s29;
	[sflag:s21] =	ssyncadd.s32 $0xFFFFC000  }
0x4c: {  	[spmem:s2] =	stream.indirect.scatter.add.f32 [tilespmem:s17], [sflag:$0x3], $0x80, s30, s18, $0xb8;
	[tilespmem:$0x1FC00] =	vst v63  }
0x4d: {  	_ =	swait.ge [sflag:s16], $0x4000  }
0x4e: {  	[sflag:s16] =	ssyncset.done $0x0  }
0x4f: {  	s30 =	sadd.s32 $0x100, s29;
	[sflag:s16] =	ssyncadd.s32 $0xFFFFC000  }
0x50: {  	[tilespmem:s17], [sflag:$0x1] =	stream.indirect.gather [hbm4b:s4+s18], $0x80, s30, s18, $0xb8;
	[tilespmem:$0x1FC00] =	vst v63  }
0x51: {  	_ =	swait.ge [sflag:s22], $0x4000  }
0x52: {  	[sflag:s22] =	ssyncset.done $0x0  }
.Ltmp0:
0x53: {  	s30 =	sadd.s32 $0x2880, s29;
	[sflag:s22] =	ssyncadd.s32 $0xFFFFC000;
	(pc) =	sbr.rel @p0 .LBB2_2-.Ltmp0, $4  }
0x54: {  	[spmem:s2] =	stream.indirect.scatter.add.f32 [tilespmem:s19], [sflag:$0x3], $0x80, s30, s18, $0xb8;
	[tilespmem:$0x1FC00] =	vst v63  }
0x55: {  	_ =	swait.ge [sflag:s16], $0x4000  }
0x56: {  	[sflag:s16] =	ssyncset.done $0x0  }
0x57: {  	s29 =	sadd.s32 $0x180, s29;
	[sflag:s16] =	ssyncadd.s32 $0xFFFFC000  }
0x58: {  	[tilespmem:s19], [sflag:$0x2] =	stream.indirect.gather [hbm4b:s4+s18], $0x80, s29, s18, $0xb8;
	[tilespmem:$0x1FC00] =	vst v63  }
0x59: {  	s28 =	simm.s32 $0x0  }
0x5a: {  	[tilespmem:s20], [sflag:$0x3] =	stream.linear.gather [hbm4b:s13+s28], $0x1400, $0x38;
	[tilespmem:$0x1FC00] =	vst v63  }
0x5b: {  	_ =	swait.ge [sflag:s16], $0x1400  }
0x5c: {  	[sflag:s16] =	ssyncset.done $0x0  }
0x5d: {  	[sflag:s16] =	ssyncadd.s32 $0xFFFFEC00  }
0x5e: {  	_ =	swait.ge [sflag:s21], $0x4000  }
0x5f: {  	[sflag:s21] =	ssyncset.done $0x0  }
0x60: {  	s28 =	simm.s32 $0x2800;
	[sflag:s21] =	ssyncadd.s32 $0xFFFFC000  }
0x61: {  	[spmem:s2] =	stream.indirect.scatter.add.f32 [tilespmem:s17], [sflag:$0x3], $0x80, s28, s18, $0xb8;
	[tilespmem:$0x1FC00] =	vst v63  }
0x62: {  	_ =	swait.ge [sflag:s16], $0x4000  }
0x63: {  	[sflag:s16] =	ssyncset.done $0x0  }
0x64: {  	s28 =	simm.s32 $0x1500;
	[sflag:s16] =	ssyncadd.s32 $0xFFFFC000  }
0x65: {  	[tilespmem:s17], [sflag:$0x1] =	stream.indirect.gather [hbm4b:s4+s18], $0x80, s28, s18, $0xb8;
	[tilespmem:$0x1FC00] =	vst v63  }
0x66: {  	_ =	swait.ge [sflag:s22], $0x4000  }
0x67: {  	[sflag:s22] =	ssyncset.done $0x0  }
0x68: {  	s28 =	simm.s32 $0x2880;
	[sflag:s22] =	ssyncadd.s32 $0xFFFFC000  }
0x69: {  	[spmem:s2] =	stream.indirect.scatter.add.f32 [tilespmem:s19], [sflag:$0x3], $0x80, s28, s18, $0xb8;
	[tilespmem:$0x1FC00] =	vst v63  }
0x6a: {  	_ =	swait.ge [sflag:s16], $0x4000  }
0x6b: {  	[sflag:s16] =	ssyncset.done $0x0  }
0x6c: {  	s29 =	simm.s32 $0x1580;
	s28 =	simm.s32 $0x400;
	[sflag:s16] =	ssyncadd.s32 $0xFFFFC000  }
.LBB2_4:
0x6d: {  	[tilespmem:s19], [sflag:$0x2] =	stream.indirect.gather [hbm4b:s4+s18], $0x80, s29, s18, $0xb8;
	[tilespmem:$0x1FC00] =	vst v63  }
0x6e: {  	s29 =	smov.u32 s28  }
0x6f: {  	p0 =	sne.s32 s28, $0x4800;
	s28 =	sadd.s32 $0x400, s28;
	_ =	swait.ge [sflag:s21], $0x4000  }
0x70: {  	s29 =	sshra.s32 s29, $0x2;
	[sflag:s21] =	ssyncset.done $0x0  }
0x71: {  	s30 =	sadd.s32 $0x2800, s29;
	[sflag:s21] =	ssyncadd.s32 $0xFFFFC000  }
0x72: {  	[spmem:s2] =	stream.indirect.scatter.add.f32 [tilespmem:s17], [sflag:$0x3], $0x80, s30, s18, $0xb8;
	[tilespmem:$0x1FC00] =	vst v63  }
0x73: {  	_ =	swait.ge [sflag:s16], $0x4000  }
0x74: {  	[sflag:s16] =	ssyncset.done $0x0  }
0x75: {  	s30 =	sadd.s32 $0x1500, s29;
	[sflag:s16] =	ssyncadd.s32 $0xFFFFC000  }
0x76: {  	[tilespmem:s17], [sflag:$0x1] =	stream.indirect.gather [hbm4b:s4+s18], $0x80, s30, s18, $0xb8;
	[tilespmem:$0x1FC00] =	vst v63  }
0x77: {  	_ =	swait.ge [sflag:s22], $0x4000  }
0x78: {  	[sflag:s22] =	ssyncset.done $0x0  }
.Ltmp1:
0x79: {  	s30 =	sadd.s32 $0x2880, s29;
	[sflag:s22] =	ssyncadd.s32 $0xFFFFC000;
	(pc) =	sbr.rel @p0 .LBB2_4-.Ltmp1, $4  }
0x7a: {  	[spmem:s2] =	stream.indirect.scatter.add.f32 [tilespmem:s19], [sflag:$0x3], $0x80, s30, s18, $0xb8;
	[tilespmem:$0x1FC00] =	vst v63  }
0x7b: {  	_ =	swait.ge [sflag:s16], $0x4000  }
0x7c: {  	[sflag:s16] =	ssyncset.done $0x0  }
0x7d: {  	s29 =	sadd.s32 $0x1580, s29;
	[sflag:s16] =	ssyncadd.s32 $0xFFFFC000  }
0x7e: {  	[tilespmem:s19], [sflag:$0x2] =	stream.indirect.gather [hbm4b:s4+s18], $0x80, s29, s18, $0xb8;
	[tilespmem:$0x1FC00] =	vst v63  }
0x7f: {  	_ =	swait.ge [sflag:s21], $0x4000  }
0x80: {  	[sflag:s21] =	ssyncset.done $0x0  }
0x81: {  	[sflag:s21] =	ssyncadd.s32 $0xFFFFC000  }
0x82: {  	[spmem:s2] =	stream.indirect.scatter.add.f32 [tilespmem:s17], [sflag:$0x3], $0x80, s23, s18, $0xb8;
	[tilespmem:$0x1FC00] =	vst v63  }
0x83: {  	_ =	swait.ge [sflag:s16], $0x4000  }
0x84: {  	[sflag:s16] =	ssyncset.done $0x0  }
0x85: {  	[sflag:s16] =	ssyncadd.s32 $0xFFFFC000  }
0x86: {  	_ =	swait.ge [sflag:s22], $0x4000  }
0x87: {  	[sflag:s22] =	ssyncset.done $0x0  }
0x88: {  	[sflag:s22] =	ssyncadd.s32 $0xFFFFC000  }
0x89: {  	[spmem:s2] =	stream.indirect.scatter.add.f32 [tilespmem:s19], [sflag:$0x3], $0x80, s24, s18, $0xb8;
	[tilespmem:$0x1FC00] =	vst v63  }
0x8a: {  	_ =	swait.ge [sflag:s16], $0x4000  }
0x8b: {  	s26 =	sadd.s32 $0x1, s26;
	[sflag:s16] =	ssyncset.done $0x0  }
0x8c: {  	p0 =	sne.s32 s26, s15;
	[sflag:s16] =	ssyncadd.s32 $0xFFFFC000  }
.Ltmp2:
0x8d: {  	s28 =	sshrl.u32 s6, $0x3;
	[bflag:$0x0] =	sbarrier.arrive $0xFFFF;
	(pc) =	sbr.rel @p0 .LBB2_1-.Ltmp2, $4  }
0x8e: {  	[hbm:s14], [sflag:s25] =	dma.local [spmem:s28], $0x2800  }
0x8f: {  	_ =	swait.ge [sflag:s16], $0x2800  }
0x90: {  	[sflag:s16] =	ssyncset.done $0x0  }
0x91: {  	[sflag:s16] =	ssyncadd.s32 $0xFFFFD800  }
0x92: {  	_ =	sfence.sel $0x180000  }
0x93: {  	[bflag:$0x0] =	sbarrier.arrive $0xFFFF  }
0x94: {  	p0 =	sne.s32 s0, $0x0;
	_ =	strace $0x9000004A  }
0x95: {  	s0 =	sadd.s32 @!p0 $0x100000, s1;
	[bflag:$0x2] =	sbarrier.arrive $0xFFFF  }
0x96: {  	[sflag:s0] =	ssyncadd.tile.s32 @!p0 $0x1;
	_ =	shalt  }
.Lfunc_end2:
_tile_overlayer_lowered:
.L_overlay_start_2:
0x97: {  	(tag) =	ssettag $0x2  }
0x98: {  	s0 =	rddreg [dreg:$0x0];
	s2 =	stileid.u32  }
0x99: {  	s1 =	rddreg [dreg:$0x1];
	p0 =	sne.s32 s2, $0x0  }
0x9a: {  	s3 =	rddreg [dreg:$0x2];
	[bflag:$0x3] =	sbarrier.arrive $0xFFFF;
	s2 =	simm.s32 @!p0 $0x1C03  }
0x9b: {  	[timem:s3], [sflag:s2] =	dma.local @!p0 [hbm:s0], s1  }
0x9c: {  	s0 =	simm.s32 @!p0 $0x3  }
0x9d: {  	_ =	swait.ge @!p0 [sflag:s0], s1  }
0x9e: {  	s1 =	ssub.s32 @!p0 $0x0, s1;
	[sflag:s0] =	ssyncset.done @!p0 $0x0  }
0x9f: {  	[sflag:s0] =	ssyncadd.s32 @!p0 s1  }
0xa0: {  	[bflag:$0x3] =	sbarrier.arrive $0xFFFF  }
0xa1: {  	_ =	shalt  }

// kernel: _run.14.cloned.1.call-start
scs
__scs_entry_jumppad:
0x0: {  	(pc) =	sbr.rel $0x88, $3  }
0x1: {  	(tag) =	ssettag $0x0;
	lr =	simm.s32 $0x1  }
0x2: {  	[smem:$0x3F9B] =	sst lr;
	_ =	strace $0xD0000000  }
0x3: {  	_ = 	snop  }
0x4: {  	_ = 	snop  }
0x5: {  	_ = 	snop  }
0x6: {  	_ = 	snop  }
0x7: {  	_ = 	snop  }
__scs_overlays_trampoline_lowered:
0x8: {  	[smem:$0x3FAA] =	sst s0  }
0x9: {  	[smem:$0x3FAB] =	sst s1  }
0xa: {  	[smem:$0x3FAC] =	sst s2  }
0xb: {  	[smem:$0x3FAD] =	sst s3  }
0xc: {  	[smem:$0x3FAE] =	sst s4  }
0xd: {  	[smem:$0x3FAF] =	sst s5  }
0xe: {  	[smem:$0x3FB0] =	sst s6  }
0xf: {  	[smem:$0x3FB1] =	sst s7  }
0x10: {  	[smem:$0x3FB2] =	sst s8  }
0x11: {  	[smem:$0x3FB3] =	sst s9;
	s0 =	simm.s32 @!p0 $0x0  }
0x12: {  	s1 =	sld [smem:$0x3F99];
	s0 =	simm.s32 @p0 $0x1  }
0x13: {  	[smem:$0x3FB4] =	sst s0;
	s0 =	simm.s32 @!p1 $0x0  }
0x14: {  	s2 =	sld [smem:$0x3F98];
	s0 =	simm.s32 @p1 $0x1  }
0x15: {  	[smem:$0x3FB5] =	sst s0;
	s0 =	simm.s32 @!p2 $0x0  }
0x16: {  	s3 =	sld [smem:$0x3FDB];
	s0 =	simm.s32 @p2 $0x1  }
0x17: {  	s4 =	simm.s32 $0x1BF5;
	[smem:$0x3FB7] =	sst s0  }
0x18: {  	s0 =	sld [smem:$0x3F9A];
	_ =	swait.ge [sflag:s4], $0x0  }
0x19: {  	s7 =	sld [smem:$0x3F9B]  }
0x1a: {  	s8 =	sadd.s32 $0xFFFFE003, lr  }
0x1b: {  	s9 =	sadd.s32 $0xFFFFFEF7, lr;
	s5 =	simm.s32 $0xFFFFFFFF;
	p2 =	slt.u32 s8, $0xFFFFF086  }
0x1c: {  	p1 =	slt.u32 s9, $0xF7A;
	s5 =	simm.s32 @!p2 $0x0  }
0x1d: {  	s5 =	simm.s32 @p1 $0x1;
	p0 =	seq.s32 s7, s2  }
0x1e: {  	s7 =	smul.u32 @!p0 $0xF7A, s2;
	p2 =	seq.s32 @!p0 s5, $0x0  }
0x1f: {  	s9 =	smul.u32 $0xF7A, s1;
	s8 =	simm.s32 @!p0 $0x1BF5;
	p2 =	por !p2, p0  }
0x20: {  	[sflag:s8] =	ssyncset.s32 @!p0 $0xFFFFF086;
	s6 =	sadd.s32 @!p0 s3, s7;
	s7 =	simm.s32 @!p0 $0x108  }
0x21: {  	s3 =	sadd.s32 s3, s9;
	s6 =	sadd.s32 @!p0 $0x88, s6;
	s7 =	simm.s32 @p2 $0x1082  }
0x22: {  	[simem:s7], [sflag:s8] =	dma.local @!p0 [hbm:s6], $0xF7A  }
0x23: {  	s9 =	sor.u32 $0xD0000000, s2;
	s6 =	simm.s32 $0x108;
	_ =	swait.ge @!p0 [sflag:s8], $0x0  }
0x24: {  	s3 =	sadd.s32 $0x88, s3;
	s6 =	simm.s32 @!p1 $0x1082;
	[sflag:s4] =	ssyncset.s32 $0xFFFFF086  }
0x25: {  	[simem:s6], [sflag:s4] =	dma.local [hbm:s3], $0xF7A  }
0x26: {  	[smem:$0x3F9B] =	sst s1;
	(tag) =	ssettag s2;
	_ =	strace s9  }
0x27: {  	s1 =	sld [smem:$0x3FAB]  }
0x28: {  	s2 =	sld [smem:$0x3FAC]  }
0x29: {  	s4 =	sld [smem:$0x3FAE]  }
0x2a: {  	p0 =	seq.s32 s5, $0x0;
	s5 =	sld [smem:$0x3FAF]  }
0x2b: {  	s6 =	sld [smem:$0x3FB0]  }
0x2c: {  	s7 =	sld [smem:$0x3FB1]  }
0x2d: {  	s3 =	simm.s32 $0x108;
	s8 =	sld [smem:$0x3FB2]  }
0x2e: {  	s3 =	simm.s32 @!p0 $0x1082;
	s9 =	sld [smem:$0x3FB3]  }
0x2f: {  	lr =	sadd.s32 s0, s3;
	s0 =	sld [smem:$0x3FAA]  }
0x30: {  	s3 =	sld [smem:$0x3FAD]  }
0x31: {  	[smem:$0x3FB6] =	sst s10  }
0x32: {  	s10 =	sld [smem:$0x3FB4];
	_ =	sdelay $0x3  }
0x33: {  	p0 =	seq.s32 s10, $0x1;
	s10 =	sld [smem:$0x3FB6];
	_ =	sdelay $0x3  }
0x34: {  	[smem:$0x3FB6] =	sst s10  }
0x35: {  	s10 =	sld [smem:$0x3FB5];
	_ =	sdelay $0x3  }
0x36: {  	p1 =	seq.s32 s10, $0x1;
	s10 =	sld [smem:$0x3FB6];
	_ =	sdelay $0x3  }
0x37: {  	[smem:$0x3FB6] =	sst s10  }
0x38: {  	s10 =	sld [smem:$0x3FB7]  }
0x39: {  	_ = 	snop;
	(pc) =	sbr.ind lr, $3  }
0x3a: {  	_ = 	snop  }
0x3b: {  	_ = 	snop  }
0x3c: {  	p2 =	seq.s32 s10, $0x1;
	s10 =	sld [smem:$0x3FB6]  }
0x3d: {  	_ =	shalt  }
0x3e: {  	_ =	shalt  }
0x3f: {  	_ =	shalt  }
0x40: {  	_ =	shalt  }
0x41: {  	_ =	shalt  }
0x42: {  	_ =	shalt  }
0x43: {  	_ =	shalt  }
0x44: {  	_ =	shalt  }
0x45: {  	_ =	shalt  }
0x46: {  	_ =	shalt  }
0x47: {  	_ =	shalt  }
0x48: {  	_ =	shalt  }
0x49: {  	_ =	shalt  }
0x4a: {  	_ =	shalt  }
0x4b: {  	_ =	shalt  }
0x4c: {  	_ =	shalt  }
0x4d: {  	_ =	shalt  }
0x4e: {  	_ =	shalt  }
0x4f: {  	_ =	shalt  }
0x50: {  	_ =	shalt  }
0x51: {  	_ =	shalt  }
0x52: {  	_ =	shalt  }
0x53: {  	_ =	shalt  }
0x54: {  	_ =	shalt  }
0x55: {  	_ =	shalt  }
0x56: {  	_ =	shalt  }
0x57: {  	_ =	shalt  }
0x58: {  	_ =	shalt  }
0x59: {  	_ =	shalt  }
0x5a: {  	_ =	shalt  }
0x5b: {  	_ =	shalt  }
0x5c: {  	_ =	shalt  }
0x5d: {  	_ =	shalt  }
0x5e: {  	_ =	shalt  }
0x5f: {  	_ =	shalt  }
0x60: {  	_ =	shalt  }
0x61: {  	_ =	shalt  }
0x62: {  	_ =	shalt  }
0x63: {  	_ =	shalt  }
0x64: {  	_ =	shalt  }
0x65: {  	_ =	shalt  }
0x66: {  	_ =	shalt  }
0x67: {  	_ =	shalt  }
0x68: {  	_ =	shalt  }
0x69: {  	_ =	shalt  }
0x6a: {  	_ =	shalt  }
0x6b: {  	_ =	shalt  }
0x6c: {  	_ =	shalt  }
0x6d: {  	_ =	shalt  }
0x6e: {  	_ =	shalt  }
0x6f: {  	_ =	shalt  }
0x70: {  	_ =	shalt  }
0x71: {  	_ =	shalt  }
0x72: {  	_ =	shalt  }
0x73: {  	_ =	shalt  }
0x74: {  	_ =	shalt  }
0x75: {  	_ =	shalt  }
0x76: {  	_ =	shalt  }
0x77: {  	_ =	shalt  }
0x78: {  	_ =	shalt  }
0x79: {  	_ =	shalt  }
0x7a: {  	_ =	shalt  }
0x7b: {  	_ =	shalt  }
0x7c: {  	_ =	shalt  }
0x7d: {  	_ =	shalt  }
0x7e: {  	_ =	shalt  }
0x7f: {  	_ =	shalt  }
0x80: {  	_ =	shalt  }
0x81: {  	_ =	shalt  }
0x82: {  	_ =	shalt  }
0x83: {  	_ =	shalt  }
0x84: {  	_ =	shalt  }
0x85: {  	_ =	shalt  }
0x86: {  	_ =	shalt  }
0x87: {  	_ =	shalt  }
.Lfunc_end0:
.L_simem_size_0:
called_computation.2_lowered:
.L_overlay_start_0:
0x88: {  	s2 =	sld [smem:$0x3FD9]  }
0x89: {  	s3 =	sld [smem:$0x3FFE];
	_ =	sdelay $0x1  }
0x8a: {  	s1 =	srdreg.scid  }
0x8b: {  	s0 =	sand.u32 $0x1, s1  }
0x8c: {  	s17 =	sshll.u32 s0, $0xA;
	s2 =	sadd.s32 s3, s2  }
0x8d: {  	s2 =	sadd.s32 s2, s17  }
0x8e: {  	[smem:$0x3FC2] =	sst s2  }
0x8f: {  	_ = 	snop  }
0x90: {  	s2 =	sld [smem:$0x3FD0];
	(tm) =	ssettm $0x1  }
0x91: {  	s18 =	sld [smem:$0x3FFB];
	_ =	sdelay $0x3  }
0x92: {  	_ =	strace s18  }
0x93: {  	s3 =	sld [smem:$0x3FFC];
	_ =	sdelay $0x3  }
0x94: {  	_ =	strace s3  }
0x95: {  	s3 =	sld [smem:$0x3FFD];
	_ =	sdelay $0x3  }
0x96: {  	_ =	strace s3  }
0x97: {  	_ =	strace $0x8FFFFFFF  }
0x98: {  	s19 =	sld [smem:$0x3FDB];
	_ =	sdelay $0x1  }
0x99: {  	s4 =	simm.s32 $_scs_section_size  }
0x9a: {  	s5 =	simm.s32 $_size__tile_overlayer_lowered;
	s6 =	simm.s32 $_tile_overlayer_lowered  }
0x9b: {  	s22 =	simm.s32 $0x1BFF;
	s21 =	sshll.u32 s6, $0x1;
	s3 =	sadd.s32 s4, s19  }
0x9c: {  	s7 =	simm.s32 $0x0;
	s20 =	sshll.u32 s5, $0x1;
	s5 =	sadd.s32 s21, s3  }
0x9d: {  	[timem:s7], [sflag:s22] =	dma.local [hbm:s5], s20  }
0x9e: {  	_ =	swait.ge [sflag:s22], s20  }
0x9f: {  	s4 =	ssub.s32 $0x0, s20;
	[sflag:s22] =	ssyncset.done $0x0  }
0xa0: {  	[sflag:s22] =	ssyncadd.s32 s4;
	_ =	sdelay $0x1  }
0xa1: {  	s23 =	simm.s32 $0x1B8B  }
0xa2: {  	_ =	swait.ge [sflag:s23], $0x1  }
0xa3: {  	[sflag:s23] =	ssyncset.done $0x0  }
0xa4: {  	s25 =	simm.s32 $0x1B8E;
	s24 =	sld [smem:$0x3FFE];
	[sflag:s23] =	ssyncadd.s32 $0xFFFFFFFF  }
0xa5: {  	s26 =	simm.s32 $execute0_lowered;
	[smem:$0x3FD2] =	sst s25  }
0xa6: {  	s5 =	sshll.u32 s26, $0x1;
	_ =	strace $0x8000004C;
	[dreg:$0x1] =	wrdreg $0xFFFFFFFF  }
0xa7: {  	s28 =	simm.s32 $_size_execute0_lowered;
	s3 =	sadd.s32 s3, s5;
	[dreg:$0x0] =	wrdreg $0x0  }
0xa8: {  	s5 =	sshll.u32 s28, $0x1;
	[dreg:$0x2] =	wrdreg s3  }
0xa9: {  	[dreg:$0x3] =	wrdreg s5  }
0xaa: {  	[dreg:$0x4] =	wrdreg $0xC0  }
0xab: {  	_ =	task [dreg:s7], $0x5FFFF  }
0xac: {  	[dreg:$0x1] =	wrdreg $0xFFFFFFFF  }
0xad: {  	[dreg:$0x0] =	wrdreg $0x60  }
0xae: {  	[dreg:$0x2] =	wrdreg s2  }
0xaf: {  	[dreg:$0x3] =	wrdreg s24  }
0xb0: {  	[dreg:$0x4] =	wrdreg $0xBC000  }
0xb1: {  	[dreg:$0x5] =	wrdreg $0x9  }
0xb2: {  	_ =	task.clear_ibuf [dreg:s7], $0x6FFFF;
	_ =	strace $0x9000004C  }
0xb3: {  	s29 =	simm.s32 $0x9;
	_ =	strace $0x8000004E  }
0xb4: {  	_ =	swait.ge [sflag:s29], $0x1  }
0xb5: {  	[sflag:s29] =	ssyncadd.s32 $0xFFFFFFFF  }
0xb6: {  	_ =	strace $0x9000004E  }
0xb7: {  	_ =	sfence  }
0xb8: {  	s30 =	sld [smem:$0x0];
	_ =	sdelay $0x2  }
0xb9: {  	s31 =	sshll.u32 s1, $0xD;
	s1 =	sshrl.u32 s1, $0x2  }
0xba: {  	s3 =	sand.u32 $0x4000, s31;
	s1 =	sadd.s32 s1, s30  }
0xbb: {  	s0 =	sor.u32 s3, s0;
	s1 =	sshll.u32 s1, $0x11  }
0xbc: {  	s0 =	sor.u32 s1, s0  }
0xbd: {  	s0 =	sadd.s32 $0x8F2B, s0  }
0xbe: {  	[sflag:s0] =	ssyncadd.remote.s32 $0x1  }
0xbf: {  	_ =	sfence.sel $0xFFFF  }
0xc0: {  	[dreg:$0x0] =	wrdreg $0xFFFFFFFF;
	(pc) =	sbr.abs _section_cstart, $3  }
0xc1: {  	[dreg:$0x1] =	wrdreg $0xFFFFFFFF  }
0xc2: {  	_ =	task.clear_ibuf [dreg:s7], $0x2FFFF;
	_ =	strace $0x9FFFFFFF  }
0xc3: {  	(tm) =	ssettm $0x7FFFFFFF  }
tec
execute0_lowered:
.L_overlay_start_1:
0x0: {  	(tag) =	ssettag $0x1  }
0x1: {  	s5 =	rddreg [dreg:$0x0]  }
0x2: {  	s7 =	rddreg [dreg:$0x1]  }
0x3: {  	s0 =	srdreg.scid;
	s2 =	rddreg [dreg:$0x2]  }
0x4: {  	s1 =	rddreg [dreg:$0x3];
	s3 =	simm.s32 $0x0;
	s16 =	simm.s32 $0x3  }
0x5: {  	s17 =	simm.s32 $0x3C00;
	s18 =	simm.s32 $0x80;
	s19 =	simm.s32 $0x7C00  }
0x6: {  	s20 =	simm.s32 $0x2800;
	s21 =	simm.s32 $0x1;
	s6 =	sand.u32 $0x1, s0  }
0x7: {  	s22 =	simm.s32 $0x2;
	s0 =	stileid.u32;
	s4 =	smul.u32 $0x28000, s6  }
0x8: {  	s23 =	simm.s32 $0x3B00;
	s24 =	simm.s32 $0x3B80;
	s8 =	smul.u32 $0x2800, s0  }
0x9: {  	s26 =	simm.s32 $0x0;
	[smem:$0x7FF] =	sst s3;
	s9 =	smul.u32 $0x140000, s6  }
0xa: {  	s29 =	smul.u32 $0x14000, s0;
	_ =	strace $0x8000004D;
	s6 =	ssub.s32 $0x2, s6  }
0xb: {  	s30 =	smul.u32 $0x50000, s0;
	s25 =	sshll.u32 s0, $0x6;
	s31 =	sshrl.u32 s6, $0x1  }
0xc: {  	s25 =	sor.u32 $0x1C03, s25;
	s4 =	sadd.s32 s8, s4;
	s8 =	sadd.s32 s29, s9  }
0xd: {  	s9 =	sshrl.u32 s30, $0x2;
	s15 =	ssub.s32 s6, s31;
	s10 =	sshrl.u32 s4, $0x3  }
0xe: {  	s4 =	sadd.s32 $0xC400, s7;
	s8 =	sshrl.u32 s8, $0x3;
	s6 =	sadd.s32 s9, s2  }
0xf: {  	s15 =	smax.u32 s15, $0x1;
	s13 =	sadd.s32 s10, s7;
	s14 =	sadd.s32 s8, s7  }
0x10: {  	s5 =	sadd.s32 s5, s10;
	s7 =	sadd.s32 $0x33C00, s7;
	s8 =	sadd.s32 $0x4000, s6  }
0x11: {  	s9 =	sadd.s32 $0x8000, s6;
	s10 =	sadd.s32 $0xC000, s6;
	s11 =	sadd.s32 $0x10000, s6  }
0x12: {  	s12 =	sadd.s32 $0x2400, s13;
	s13 =	sadd.s32 $0x2680, s13;
	s14 =	sadd.s32 $0x34400, s14  }
.LBB2_1:
0x13: {  	[tilespmem:s3], [sflag:$0x3] =	stream.linear.gather [hbm4b:s5+s3], $0x2800, $0x38;
	[tilespmem:$0x1FC00] =	vst v63  }
0x14: {  	_ =	swait.ge [sflag:s16], $0x2800  }
0x15: {  	[sflag:s16] =	ssyncset.done $0x0  }
0x16: {  	[sflag:s16] =	ssyncadd.s32 $0xFFFFD800  }
0x17: {  	[tilespmem:s17], [sflag:$0x3] =	stream.linear.gather [hbm4b:s7+s3], $0x4000, $0x38;
	[tilespmem:$0x1FC00] =	vst v63  }
0x18: {  	_ =	swait.ge [sflag:s16], $0x4000  }
0x19: {  	[sflag:s16] =	ssyncset.done $0x0  }
0x1a: {  	[sflag:s16] =	ssyncadd.s32 $0xFFFFC000  }
0x1b: {  	[spmem:s6] =	stream.linear.scatter [tilespmem:s17], [sflag:$0x3], $0x4000, $0x38;
	[tilespmem:$0x1FC00] =	vst v63  }
0x1c: {  	_ =	swait.ge [sflag:s16], $0x4000  }
0x1d: {  	[sflag:s16] =	ssyncset.done $0x0  }
0x1e: {  	[sflag:s16] =	ssyncadd.s32 $0xFFFFC000  }
0x1f: {  	[spmem:s8] =	stream.linear.scatter [tilespmem:s17], [sflag:$0x3], $0x4000, $0x38;
	[tilespmem:$0x1FC00] =	vst v63  }
0x20: {  	_ =	swait.ge [sflag:s16], $0x4000  }
0x21: {  	[sflag:s16] =	ssyncset.done $0x0  }
0x22: {  	[sflag:s16] =	ssyncadd.s32 $0xFFFFC000  }
0x23: {  	[spmem:s9] =	stream.linear.scatter [tilespmem:s17], [sflag:$0x3], $0x4000, $0x38;
	[tilespmem:$0x1FC00] =	vst v63  }
0x24: {  	_ =	swait.ge [sflag:s16], $0x4000  }
0x25: {  	[sflag:s16] =	ssyncset.done $0x0  }
0x26: {  	[sflag:s16] =	ssyncadd.s32 $0xFFFFC000  }
0x27: {  	[spmem:s10] =	stream.linear.scatter [tilespmem:s17], [sflag:$0x3], $0x4000, $0x38;
	[tilespmem:$0x1FC00] =	vst v63  }
0x28: {  	_ =	swait.ge [sflag:s16], $0x4000  }
0x29: {  	[sflag:s16] =	ssyncset.done $0x0  }
0x2a: {  	[sflag:s16] =	ssyncadd.s32 $0xFFFFC000  }
0x2b: {  	[spmem:s11] =	stream.linear.scatter [tilespmem:s17], [sflag:$0x3], $0x4000, $0x38;
	[tilespmem:$0x1FC00] =	vst v63  }
0x2c: {  	_ =	swait.ge [sflag:s16], $0x4000  }
0x2d: {  	[sflag:s16] =	ssyncset.done $0x0  }
0x2e: {  	[sflag:s16] =	ssyncadd.s32 $0xFFFFC000  }
0x2f: {  	[bflag:$0x0] =	sbarrier.arrive $0xFFFF  }
0x30: {  	[tilespmem:s17], [sflag:$0x1] =	stream.indirect.gather [hbm4b:s4+s18], $0x80, s3, s18, $0xb8;
	[tilespmem:$0x1FC00] =	vst v63  }
0x31: {  	_ = 	snop  }
0x32: {  	[tilespmem:s19], [sflag:$0x2] =	stream.indirect.gather [hbm4b:s4+s18], $0x80, s18, s18, $0xb8;
	[tilespmem:$0x1FC00] =	vst v63  }
0x33: {  	_ = 	snop  }
0x34: {  	[tilespmem:s20], [sflag:$0x3] =	stream.linear.gather [hbm4b:s12+s3], $0x1400, $0x38;
	[tilespmem:$0x1FC00] =	vst v63  }
0x35: {  	_ =	swait.ge [sflag:s16], $0x1400  }
0x36: {  	[sflag:s16] =	ssyncset.done $0x0  }
0x37: {  	[sflag:s16] =	ssyncadd.s32 $0xFFFFEC00  }
0x38: {  	_ =	swait.ge [sflag:s21], $0x4000  }
0x39: {  	[sflag:s21] =	ssyncset.done $0x0  }
0x3a: {  	s28 =	simm.s32 $0x2800;
	[sflag:s21] =	ssyncadd.s32 $0xFFFFC000  }
0x3b: {  	[spmem:s2] =	stream.indirect.scatter.add.f32 [tilespmem:s17], [sflag:$0x3], $0x80, s28, s18, $0xb8;
	[tilespmem:$0x1FC00] =	vst v63  }
0x3c: {  	_ =	swait.ge [sflag:s16], $0x4000  }
0x3d: {  	[sflag:s16] =	ssyncset.done $0x0  }
0x3e: {  	s28 =	simm.s32 $0x100;
	[sflag:s16] =	ssyncadd.s32 $0xFFFFC000  }
0x3f: {  	[tilespmem:s17], [sflag:$0x1] =	stream.indirect.gather [hbm4b:s4+s18], $0x80, s28, s18, $0xb8;
	[tilespmem:$0x1FC00] =	vst v63  }
0x40: {  	_ =	swait.ge [sflag:s22], $0x4000  }
0x41: {  	[sflag:s22] =	ssyncset.done $0x0  }
0x42: {  	s28 =	simm.s32 $0x2880;
	[sflag:s22] =	ssyncadd.s32 $0xFFFFC000  }
0x43: {  	[spmem:s2] =	stream.indirect.scatter.add.f32 [tilespmem:s19], [sflag:$0x3], $0x80, s28, s18, $0xb8;
	[tilespmem:$0x1FC00] =	vst v63  }
0x44: {  	_ =	swait.ge [sflag:s16], $0x4000  }
0x45: {  	[sflag:s16] =	ssyncset.done $0x0  }
0x46: {  	s29 =	simm.s32 $0x180;
	s28 =	simm.s32 $0x400;
	[sflag:s16] =	ssyncadd.s32 $0xFFFFC000  }
.LBB2_2:
0x47: {  	[tilespmem:s19], [sflag:$0x2] =	stream.indirect.gather [hbm4b:s4+s18], $0x80, s29, s18, $0xb8;
	[tilespmem:$0x1FC00] =	vst v63  }
0x48: {  	s29 =	smov.u32 s28  }
0x49: {  	p0 =	sne.s32 s28, $0x4C00;
	s28 =	sadd.s32 $0x400, s28;
	_ =	swait.ge [sflag:s21], $0x4000  }
0x4a: {  	s29 =	sshra.s32 s29, $0x2;
	[sflag:s21] =	ssyncset.done $0x0  }
0x4b: {  	s30 =	sadd.s32 $0x2800, s29;
	[sflag:s21] =	ssyncadd.s32 $0xFFFFC000  }
0x4c: {  	[spmem:s2] =	stream.indirect.scatter.add.f32 [tilespmem:s17], [sflag:$0x3], $0x80, s30, s18, $0xb8;
	[tilespmem:$0x1FC00] =	vst v63  }
0x4d: {  	_ =	swait.ge [sflag:s16], $0x4000  }
0x4e: {  	[sflag:s16] =	ssyncset.done $0x0  }
0x4f: {  	s30 =	sadd.s32 $0x100, s29;
	[sflag:s16] =	ssyncadd.s32 $0xFFFFC000  }
0x50: {  	[tilespmem:s17], [sflag:$0x1] =	stream.indirect.gather [hbm4b:s4+s18], $0x80, s30, s18, $0xb8;
	[tilespmem:$0x1FC00] =	vst v63  }
0x51: {  	_ =	swait.ge [sflag:s22], $0x4000  }
0x52: {  	[sflag:s22] =	ssyncset.done $0x0  }
.Ltmp0:
0x53: {  	s30 =	sadd.s32 $0x2880, s29;
	[sflag:s22] =	ssyncadd.s32 $0xFFFFC000;
	(pc) =	sbr.rel @p0 .LBB2_2-.Ltmp0, $4  }
0x54: {  	[spmem:s2] =	stream.indirect.scatter.add.f32 [tilespmem:s19], [sflag:$0x3], $0x80, s30, s18, $0xb8;
	[tilespmem:$0x1FC00] =	vst v63  }
0x55: {  	_ =	swait.ge [sflag:s16], $0x4000  }
0x56: {  	[sflag:s16] =	ssyncset.done $0x0  }
0x57: {  	s29 =	sadd.s32 $0x180, s29;
	[sflag:s16] =	ssyncadd.s32 $0xFFFFC000  }
0x58: {  	[tilespmem:s19], [sflag:$0x2] =	stream.indirect.gather [hbm4b:s4+s18], $0x80, s29, s18, $0xb8;
	[tilespmem:$0x1FC00] =	vst v63  }
0x59: {  	s28 =	simm.s32 $0x0  }
0x5a: {  	[tilespmem:s20], [sflag:$0x3] =	stream.linear.gather [hbm4b:s13+s28], $0x1400, $0x38;
	[tilespmem:$0x1FC00] =	vst v63  }
0x5b: {  	_ =	swait.ge [sflag:s16], $0x1400  }
0x5c: {  	[sflag:s16] =	ssyncset.done $0x0  }
0x5d: {  	[sflag:s16] =	ssyncadd.s32 $0xFFFFEC00  }
0x5e: {  	_ =	swait.ge [sflag:s21], $0x4000  }
0x5f: {  	[sflag:s21] =	ssyncset.done $0x0  }
0x60: {  	s28 =	simm.s32 $0x2800;
	[sflag:s21] =	ssyncadd.s32 $0xFFFFC000  }
0x61: {  	[spmem:s2] =	stream.indirect.scatter.add.f32 [tilespmem:s17], [sflag:$0x3], $0x80, s28, s18, $0xb8;
	[tilespmem:$0x1FC00] =	vst v63  }
0x62: {  	_ =	swait.ge [sflag:s16], $0x4000  }
0x63: {  	[sflag:s16] =	ssyncset.done $0x0  }
0x64: {  	s28 =	simm.s32 $0x1500;
	[sflag:s16] =	ssyncadd.s32 $0xFFFFC000  }
0x65: {  	[tilespmem:s17], [sflag:$0x1] =	stream.indirect.gather [hbm4b:s4+s18], $0x80, s28, s18, $0xb8;
	[tilespmem:$0x1FC00] =	vst v63  }
0x66: {  	_ =	swait.ge [sflag:s22], $0x4000  }
0x67: {  	[sflag:s22] =	ssyncset.done $0x0  }
0x68: {  	s28 =	simm.s32 $0x2880;
	[sflag:s22] =	ssyncadd.s32 $0xFFFFC000  }
0x69: {  	[spmem:s2] =	stream.indirect.scatter.add.f32 [tilespmem:s19], [sflag:$0x3], $0x80, s28, s18, $0xb8;
	[tilespmem:$0x1FC00] =	vst v63  }
0x6a: {  	_ =	swait.ge [sflag:s16], $0x4000  }
0x6b: {  	[sflag:s16] =	ssyncset.done $0x0  }
0x6c: {  	s29 =	simm.s32 $0x1580;
	s28 =	simm.s32 $0x400;
	[sflag:s16] =	ssyncadd.s32 $0xFFFFC000  }
.LBB2_4:
0x6d: {  	[tilespmem:s19], [sflag:$0x2] =	stream.indirect.gather [hbm4b:s4+s18], $0x80, s29, s18, $0xb8;
	[tilespmem:$0x1FC00] =	vst v63  }
0x6e: {  	s29 =	smov.u32 s28  }
0x6f: {  	p0 =	sne.s32 s28, $0x4800;
	s28 =	sadd.s32 $0x400, s28;
	_ =	swait.ge [sflag:s21], $0x4000  }
0x70: {  	s29 =	sshra.s32 s29, $0x2;
	[sflag:s21] =	ssyncset.done $0x0  }
0x71: {  	s30 =	sadd.s32 $0x2800, s29;
	[sflag:s21] =	ssyncadd.s32 $0xFFFFC000  }
0x72: {  	[spmem:s2] =	stream.indirect.scatter.add.f32 [tilespmem:s17], [sflag:$0x3], $0x80, s30, s18, $0xb8;
	[tilespmem:$0x1FC00] =	vst v63  }
0x73: {  	_ =	swait.ge [sflag:s16], $0x4000  }
0x74: {  	[sflag:s16] =	ssyncset.done $0x0  }
0x75: {  	s30 =	sadd.s32 $0x1500, s29;
	[sflag:s16] =	ssyncadd.s32 $0xFFFFC000  }
0x76: {  	[tilespmem:s17], [sflag:$0x1] =	stream.indirect.gather [hbm4b:s4+s18], $0x80, s30, s18, $0xb8;
	[tilespmem:$0x1FC00] =	vst v63  }
0x77: {  	_ =	swait.ge [sflag:s22], $0x4000  }
0x78: {  	[sflag:s22] =	ssyncset.done $0x0  }
.Ltmp1:
0x79: {  	s30 =	sadd.s32 $0x2880, s29;
	[sflag:s22] =	ssyncadd.s32 $0xFFFFC000;
	(pc) =	sbr.rel @p0 .LBB2_4-.Ltmp1, $4  }
0x7a: {  	[spmem:s2] =	stream.indirect.scatter.add.f32 [tilespmem:s19], [sflag:$0x3], $0x80, s30, s18, $0xb8;
	[tilespmem:$0x1FC00] =	vst v63  }
0x7b: {  	_ =	swait.ge [sflag:s16], $0x4000  }
0x7c: {  	[sflag:s16] =	ssyncset.done $0x0  }
0x7d: {  	s29 =	sadd.s32 $0x1580, s29;
	[sflag:s16] =	ssyncadd.s32 $0xFFFFC000  }
0x7e: {  	[tilespmem:s19], [sflag:$0x2] =	stream.indirect.gather [hbm4b:s4+s18], $0x80, s29, s18, $0xb8;
	[tilespmem:$0x1FC00] =	vst v63  }
0x7f: {  	_ =	swait.ge [sflag:s21], $0x4000  }
0x80: {  	[sflag:s21] =	ssyncset.done $0x0  }
0x81: {  	[sflag:s21] =	ssyncadd.s32 $0xFFFFC000  }
0x82: {  	[spmem:s2] =	stream.indirect.scatter.add.f32 [tilespmem:s17], [sflag:$0x3], $0x80, s23, s18, $0xb8;
	[tilespmem:$0x1FC00] =	vst v63  }
0x83: {  	_ =	swait.ge [sflag:s16], $0x4000  }
0x84: {  	[sflag:s16] =	ssyncset.done $0x0  }
0x85: {  	[sflag:s16] =	ssyncadd.s32 $0xFFFFC000  }
0x86: {  	_ =	swait.ge [sflag:s22], $0x4000  }
0x87: {  	[sflag:s22] =	ssyncset.done $0x0  }
0x88: {  	[sflag:s22] =	ssyncadd.s32 $0xFFFFC000  }
0x89: {  	[spmem:s2] =	stream.indirect.scatter.add.f32 [tilespmem:s19], [sflag:$0x3], $0x80, s24, s18, $0xb8;
	[tilespmem:$0x1FC00] =	vst v63  }
0x8a: {  	_ =	swait.ge [sflag:s16], $0x4000  }
0x8b: {  	s26 =	sadd.s32 $0x1, s26;
	[sflag:s16] =	ssyncset.done $0x0  }
0x8c: {  	p0 =	sne.s32 s26, s15;
	[sflag:s16] =	ssyncadd.s32 $0xFFFFC000  }
.Ltmp2:
0x8d: {  	s28 =	sshrl.u32 s6, $0x3;
	[bflag:$0x0] =	sbarrier.arrive $0xFFFF;
	(pc) =	sbr.rel @p0 .LBB2_1-.Ltmp2, $4  }
0x8e: {  	[hbm:s14], [sflag:s25] =	dma.local [spmem:s28], $0x2800  }
0x8f: {  	_ =	swait.ge [sflag:s16], $0x2800  }
0x90: {  	[sflag:s16] =	ssyncset.done $0x0  }
0x91: {  	[sflag:s16] =	ssyncadd.s32 $0xFFFFD800  }
0x92: {  	_ =	sfence.sel $0x180000  }
0x93: {  	[bflag:$0x0] =	sbarrier.arrive $0xFFFF  }
0x94: {  	p0 =	sne.s32 s0, $0x0;
	_ =	strace $0x9000004D  }
0x95: {  	s0 =	sadd.s32 @!p0 $0x100000, s1;
	[bflag:$0x2] =	sbarrier.arrive $0xFFFF  }
0x96: {  	[sflag:s0] =	ssyncadd.tile.s32 @!p0 $0x1;
	_ =	shalt  }
.Lfunc_end2:
_tile_overlayer_lowered:
.L_overlay_start_2:
0x97: {  	(tag) =	ssettag $0x2  }
0x98: {  	s0 =	rddreg [dreg:$0x0];
	s2 =	stileid.u32  }
0x99: {  	s1 =	rddreg [dreg:$0x1];
	p0 =	sne.s32 s2, $0x0  }
0x9a: {  	s3 =	rddreg [dreg:$0x2];
	[bflag:$0x3] =	sbarrier.arrive $0xFFFF;
	s2 =	simm.s32 @!p0 $0x1C03  }
0x9b: {  	[timem:s3], [sflag:s2] =	dma.local @!p0 [hbm:s0], s1  }
0x9c: {  	s0 =	simm.s32 @!p0 $0x3  }
0x9d: {  	_ =	swait.ge @!p0 [sflag:s0], s1  }
0x9e: {  	s1 =	ssub.s32 @!p0 $0x0, s1;
	[sflag:s0] =	ssyncset.done @!p0 $0x0  }
0x9f: {  	[sflag:s0] =	ssyncadd.s32 @!p0 s1  }
0xa0: {  	[bflag:$0x3] =	sbarrier.arrive $0xFFFF  }
0xa1: {  	_ =	shalt  }

// kernel: _run.8.cloned.1.call-start
scs
__scs_entry_jumppad:
0x0: {  	(pc) =	sbr.rel $0x88, $3  }
0x1: {  	(tag) =	ssettag $0x0;
	lr =	simm.s32 $0x1  }
0x2: {  	[smem:$0x3F9B] =	sst lr;
	_ =	strace $0xD0000000  }
0x3: {  	_ = 	snop  }
0x4: {  	_ = 	snop  }
0x5: {  	_ = 	snop  }
0x6: {  	_ = 	snop  }
0x7: {  	_ = 	snop  }
__scs_overlays_trampoline_lowered:
0x8: {  	[smem:$0x3FAA] =	sst s0  }
0x9: {  	[smem:$0x3FAB] =	sst s1  }
0xa: {  	[smem:$0x3FAC] =	sst s2  }
0xb: {  	[smem:$0x3FAD] =	sst s3  }
0xc: {  	[smem:$0x3FAE] =	sst s4  }
0xd: {  	[smem:$0x3FAF] =	sst s5  }
0xe: {  	[smem:$0x3FB0] =	sst s6  }
0xf: {  	[smem:$0x3FB1] =	sst s7  }
0x10: {  	[smem:$0x3FB2] =	sst s8  }
0x11: {  	[smem:$0x3FB3] =	sst s9;
	s0 =	simm.s32 @!p0 $0x0  }
0x12: {  	s1 =	sld [smem:$0x3F99];
	s0 =	simm.s32 @p0 $0x1  }
0x13: {  	[smem:$0x3FB4] =	sst s0;
	s0 =	simm.s32 @!p1 $0x0  }
0x14: {  	s2 =	sld [smem:$0x3F98];
	s0 =	simm.s32 @p1 $0x1  }
0x15: {  	[smem:$0x3FB5] =	sst s0;
	s0 =	simm.s32 @!p2 $0x0  }
0x16: {  	s3 =	sld [smem:$0x3FDB];
	s0 =	simm.s32 @p2 $0x1  }
0x17: {  	s4 =	simm.s32 $0x1BF5;
	[smem:$0x3FB7] =	sst s0  }
0x18: {  	s0 =	sld [smem:$0x3F9A];
	_ =	swait.ge [sflag:s4], $0x0  }
0x19: {  	s7 =	sld [smem:$0x3F9B]  }
0x1a: {  	s8 =	sadd.s32 $0xFFFFE003, lr  }
0x1b: {  	s9 =	sadd.s32 $0xFFFFFEF7, lr;
	s5 =	simm.s32 $0xFFFFFFFF;
	p2 =	slt.u32 s8, $0xFFFFF086  }
0x1c: {  	p1 =	slt.u32 s9, $0xF7A;
	s5 =	simm.s32 @!p2 $0x0  }
0x1d: {  	s5 =	simm.s32 @p1 $0x1;
	p0 =	seq.s32 s7, s2  }
0x1e: {  	s7 =	smul.u32 @!p0 $0xF7A, s2;
	p2 =	seq.s32 @!p0 s5, $0x0  }
0x1f: {  	s9 =	smul.u32 $0xF7A, s1;
	s8 =	simm.s32 @!p0 $0x1BF5;
	p2 =	por !p2, p0  }
0x20: {  	[sflag:s8] =	ssyncset.s32 @!p0 $0xFFFFF086;
	s6 =	sadd.s32 @!p0 s3, s7;
	s7 =	simm.s32 @!p0 $0x108  }
0x21: {  	s3 =	sadd.s32 s3, s9;
	s6 =	sadd.s32 @!p0 $0x88, s6;
	s7 =	simm.s32 @p2 $0x1082  }
0x22: {  	[simem:s7], [sflag:s8] =	dma.local @!p0 [hbm:s6], $0xF7A  }
0x23: {  	s9 =	sor.u32 $0xD0000000, s2;
	s6 =	simm.s32 $0x108;
	_ =	swait.ge @!p0 [sflag:s8], $0x0  }
0x24: {  	s3 =	sadd.s32 $0x88, s3;
	s6 =	simm.s32 @!p1 $0x1082;
	[sflag:s4] =	ssyncset.s32 $0xFFFFF086  }
0x25: {  	[simem:s6], [sflag:s4] =	dma.local [hbm:s3], $0xF7A  }
0x26: {  	[smem:$0x3F9B] =	sst s1;
	(tag) =	ssettag s2;
	_ =	strace s9  }
0x27: {  	s1 =	sld [smem:$0x3FAB]  }
0x28: {  	s2 =	sld [smem:$0x3FAC]  }
0x29: {  	s4 =	sld [smem:$0x3FAE]  }
0x2a: {  	p0 =	seq.s32 s5, $0x0;
	s5 =	sld [smem:$0x3FAF]  }
0x2b: {  	s6 =	sld [smem:$0x3FB0]  }
0x2c: {  	s7 =	sld [smem:$0x3FB1]  }
0x2d: {  	s3 =	simm.s32 $0x108;
	s8 =	sld [smem:$0x3FB2]  }
0x2e: {  	s3 =	simm.s32 @!p0 $0x1082;
	s9 =	sld [smem:$0x3FB3]  }
0x2f: {  	lr =	sadd.s32 s0, s3;
	s0 =	sld [smem:$0x3FAA]  }
0x30: {  	s3 =	sld [smem:$0x3FAD]  }
0x31: {  	[smem:$0x3FB6] =	sst s10  }
0x32: {  	s10 =	sld [smem:$0x3FB4];
	_ =	sdelay $0x3  }
0x33: {  	p0 =	seq.s32 s10, $0x1;
	s10 =	sld [smem:$0x3FB6];
	_ =	sdelay $0x3  }
0x34: {  	[smem:$0x3FB6] =	sst s10  }
0x35: {  	s10 =	sld [smem:$0x3FB5];
	_ =	sdelay $0x3  }
0x36: {  	p1 =	seq.s32 s10, $0x1;
	s10 =	sld [smem:$0x3FB6];
	_ =	sdelay $0x3  }
0x37: {  	[smem:$0x3FB6] =	sst s10  }
0x38: {  	s10 =	sld [smem:$0x3FB7]  }
0x39: {  	_ = 	snop;
	(pc) =	sbr.ind lr, $3  }
0x3a: {  	_ = 	snop  }
0x3b: {  	_ = 	snop  }
0x3c: {  	p2 =	seq.s32 s10, $0x1;
	s10 =	sld [smem:$0x3FB6]  }
0x3d: {  	_ =	shalt  }
0x3e: {  	_ =	shalt  }
0x3f: {  	_ =	shalt  }
0x40: {  	_ =	shalt  }
0x41: {  	_ =	shalt  }
0x42: {  	_ =	shalt  }
0x43: {  	_ =	shalt  }
0x44: {  	_ =	shalt  }
0x45: {  	_ =	shalt  }
0x46: {  	_ =	shalt  }
0x47: {  	_ =	shalt  }
0x48: {  	_ =	shalt  }
0x49: {  	_ =	shalt  }
0x4a: {  	_ =	shalt  }
0x4b: {  	_ =	shalt  }
0x4c: {  	_ =	shalt  }
0x4d: {  	_ =	shalt  }
0x4e: {  	_ =	shalt  }
0x4f: {  	_ =	shalt  }
0x50: {  	_ =	shalt  }
0x51: {  	_ =	shalt  }
0x52: {  	_ =	shalt  }
0x53: {  	_ =	shalt  }
0x54: {  	_ =	shalt  }
0x55: {  	_ =	shalt  }
0x56: {  	_ =	shalt  }
0x57: {  	_ =	shalt  }
0x58: {  	_ =	shalt  }
0x59: {  	_ =	shalt  }
0x5a: {  	_ =	shalt  }
0x5b: {  	_ =	shalt  }
0x5c: {  	_ =	shalt  }
0x5d: {  	_ =	shalt  }
0x5e: {  	_ =	shalt  }
0x5f: {  	_ =	shalt  }
0x60: {  	_ =	shalt  }
0x61: {  	_ =	shalt  }
0x62: {  	_ =	shalt  }
0x63: {  	_ =	shalt  }
0x64: {  	_ =	shalt  }
0x65: {  	_ =	shalt  }
0x66: {  	_ =	shalt  }
0x67: {  	_ =	shalt  }
0x68: {  	_ =	shalt  }
0x69: {  	_ =	shalt  }
0x6a: {  	_ =	shalt  }
0x6b: {  	_ =	shalt  }
0x6c: {  	_ =	shalt  }
0x6d: {  	_ =	shalt  }
0x6e: {  	_ =	shalt  }
0x6f: {  	_ =	shalt  }
0x70: {  	_ =	shalt  }
0x71: {  	_ =	shalt  }
0x72: {  	_ =	shalt  }
0x73: {  	_ =	shalt  }
0x74: {  	_ =	shalt  }
0x75: {  	_ =	shalt  }
0x76: {  	_ =	shalt  }
0x77: {  	_ =	shalt  }
0x78: {  	_ =	shalt  }
0x79: {  	_ =	shalt  }
0x7a: {  	_ =	shalt  }
0x7b: {  	_ =	shalt  }
0x7c: {  	_ =	shalt  }
0x7d: {  	_ =	shalt  }
0x7e: {  	_ =	shalt  }
0x7f: {  	_ =	shalt  }
0x80: {  	_ =	shalt  }
0x81: {  	_ =	shalt  }
0x82: {  	_ =	shalt  }
0x83: {  	_ =	shalt  }
0x84: {  	_ =	shalt  }
0x85: {  	_ =	shalt  }
0x86: {  	_ =	shalt  }
0x87: {  	_ =	shalt  }
.Lfunc_end0:
.L_simem_size_0:
called_computation_lowered:
.L_overlay_start_0:
0x88: {  	s2 =	sld [smem:$0x3FD9]  }
0x89: {  	s3 =	sld [smem:$0x3FFE];
	_ =	sdelay $0x1  }
0x8a: {  	s1 =	srdreg.scid  }
0x8b: {  	s0 =	sand.u32 $0x1, s1  }
0x8c: {  	s16 =	sshll.u32 s0, $0xA;
	s2 =	sadd.s32 s3, s2  }
0x8d: {  	s2 =	sadd.s32 s2, s16  }
0x8e: {  	[smem:$0x3FC2] =	sst s2  }
0x8f: {  	_ = 	snop  }
0x90: {  	(tm) =	ssettm $0x1  }
0x91: {  	s17 =	sld [smem:$0x3FFB];
	_ =	sdelay $0x3  }
0x92: {  	_ =	strace s17  }
0x93: {  	s2 =	sld [smem:$0x3FFC];
	_ =	sdelay $0x3  }
0x94: {  	_ =	strace s2  }
0x95: {  	s2 =	sld [smem:$0x3FFD];
	_ =	sdelay $0x3  }
0x96: {  	_ =	strace s2  }
0x97: {  	_ =	strace $0x8FFFFFFF  }
0x98: {  	s18 =	sld [smem:$0x3FDB];
	_ =	sdelay $0x1  }
0x99: {  	s19 =	simm.s32 $_scs_section_size  }
0x9a: {  	s4 =	simm.s32 $_size__tile_overlayer_lowered;
	s5 =	simm.s32 $_tile_overlayer_lowered  }
0x9b: {  	s22 =	simm.s32 $0x1BFF;
	s21 =	sshll.u32 s5, $0x1;
	s2 =	sadd.s32 s19, s18  }
0x9c: {  	s6 =	simm.s32 $0x0;
	s20 =	sshll.u32 s4, $0x1;
	s4 =	sadd.s32 s21, s2  }
0x9d: {  	[timem:s6], [sflag:s22] =	dma.local [hbm:s4], s20  }
0x9e: {  	_ =	swait.ge [sflag:s22], s20  }
0x9f: {  	s3 =	ssub.s32 $0x0, s20;
	[sflag:s22] =	ssyncset.done $0x0  }
0xa0: {  	[sflag:s22] =	ssyncadd.s32 s3;
	_ =	sdelay $0x1  }
0xa1: {  	s23 =	simm.s32 $0x1B8B  }
0xa2: {  	_ =	swait.ge [sflag:s23], $0x1  }
0xa3: {  	[sflag:s23] =	ssyncset.done $0x0  }
0xa4: {  	s25 =	simm.s32 $0x1B8E;
	s24 =	sld [smem:$0x3FFE];
	[sflag:s23] =	ssyncadd.s32 $0xFFFFFFFF  }
0xa5: {  	s26 =	simm.s32 $execute0_lowered;
	[smem:$0x3FD2] =	sst s25  }
0xa6: {  	s4 =	sshll.u32 s26, $0x1;
	_ =	strace $0x80000046;
	[dreg:$0x1] =	wrdreg $0xFFFFFFFF  }
0xa7: {  	s28 =	simm.s32 $_size_execute0_lowered;
	s2 =	sadd.s32 s2, s4;
	[dreg:$0x0] =	wrdreg $0x0  }
0xa8: {  	s4 =	sshll.u32 s28, $0x1;
	[dreg:$0x2] =	wrdreg s2  }
0xa9: {  	[dreg:$0x3] =	wrdreg s4  }
0xaa: {  	[dreg:$0x4] =	wrdreg $0xC0  }
0xab: {  	_ =	task [dreg:s6], $0x5FFFF  }
0xac: {  	[dreg:$0x1] =	wrdreg $0xFFFFFFFF  }
0xad: {  	[dreg:$0x0] =	wrdreg $0x60  }
0xae: {  	[dreg:$0x2] =	wrdreg s24  }
0xaf: {  	[dreg:$0x3] =	wrdreg $0x68000  }
0xb0: {  	[dreg:$0x4] =	wrdreg $0x9  }
0xb1: {  	_ =	task.clear_ibuf [dreg:s6], $0x5FFFF;
	_ =	strace $0x90000046  }
0xb2: {  	s29 =	simm.s32 $0x9;
	_ =	strace $0x80000048  }
0xb3: {  	_ =	swait.ge [sflag:s29], $0x1  }
0xb4: {  	[sflag:s29] =	ssyncadd.s32 $0xFFFFFFFF  }
0xb5: {  	_ =	strace $0x90000048  }
0xb6: {  	_ =	sfence  }
0xb7: {  	s30 =	sld [smem:$0x0];
	_ =	sdelay $0x2  }
0xb8: {  	s31 =	sshll.u32 s1, $0xD;
	s1 =	sshrl.u32 s1, $0x2  }
0xb9: {  	s3 =	sand.u32 $0x4000, s31;
	s1 =	sadd.s32 s1, s30  }
0xba: {  	s0 =	sor.u32 s3, s0;
	s1 =	sshll.u32 s1, $0x11  }
0xbb: {  	s0 =	sor.u32 s1, s0  }
0xbc: {  	s0 =	sadd.s32 $0x8F2B, s0  }
0xbd: {  	[sflag:s0] =	ssyncadd.remote.s32 $0x1  }
0xbe: {  	_ =	sfence.sel $0xFFFF  }
0xbf: {  	[dreg:$0x0] =	wrdreg $0xFFFFFFFF;
	(pc) =	sbr.abs _section_cstart, $3  }
0xc0: {  	[dreg:$0x1] =	wrdreg $0xFFFFFFFF  }
0xc1: {  	_ =	task.clear_ibuf [dreg:s6], $0x2FFFF;
	_ =	strace $0x9FFFFFFF  }
0xc2: {  	(tm) =	ssettm $0x7FFFFFFF  }
0xc3: {  	_ =	shalt  }
tec
execute0_lowered:
.L_overlay_start_1:
0x0: {  	(tag) =	ssettag $0x1  }
0x1: {  	s6 =	rddreg [dreg:$0x0]  }
0x2: {  	s0 =	srdreg.scid;
	s2 =	rddreg [dreg:$0x1]  }
0x3: {  	s1 =	rddreg [dreg:$0x2];
	s7 =	sand.u32 $0x1, s0  }
0x4: {  	s3 =	simm.s32 $0x0;
	s0 =	stileid.u32;
	s4 =	smul.u32 $0x28000, s7  }
0x5: {  	s14 =	simm.s32 $0x1;
	s15 =	simm.s32 $0x2800;
	s5 =	smul.u32 $0x2800, s0  }
0x6: {  	s16 =	simm.s32 $0x80;
	[smem:$0x7FF] =	sst s3;
	s8 =	smul.u32 $0x140000, s7  }
0x7: {  	s19 =	simm.s32 $0x0;
	s9 =	smul.u32 $0x14000, s0;
	_ =	strace $0x80000047  }
0x8: {  	s11 =	smul.u32 $0x50000, s0;
	s7 =	ssub.s32 $0x2, s7;
	s17 =	sshll.u32 s0, $0x6  }
0x9: {  	s31 =	sshrl.u32 s7, $0x1;
	s17 =	sor.u32 $0x1C01, s17;
	s4 =	sadd.s32 s5, s4  }
0xa: {  	s5 =	sadd.s32 $0xC400, s6;
	s8 =	sadd.s32 s9, s8;
	s30 =	sshrl.u32 s11, $0x2  }
0xb: {  	s13 =	ssub.s32 s7, s31;
	s4 =	sshrl.u32 s4, $0x3;
	s8 =	sshrl.u32 s8, $0x3  }
0xc: {  	s13 =	smax.u32 s13, $0x1;
	s10 =	sadd.s32 s4, s6;
	s4 =	sadd.s32 $0xCC00, s6  }
0xd: {  	s12 =	sadd.s32 s8, s6;
	s6 =	sadd.s32 s30, s2;
	s7 =	sadd.s32 $0x2400, s10  }
0xe: {  	s8 =	sadd.s32 $0x4000, s6;
	s9 =	sadd.s32 $0x8000, s6;
	s10 =	sadd.s32 $0xC000, s6  }
0xf: {  	s11 =	sadd.s32 $0x10000, s6;
	s12 =	sadd.s32 $0xD400, s12;
	s18 =	sshrl.u32 s6, $0x3  }
.LBB2_1:
0x10: {  	[tilespmem:s3], [sflag:$0x1] =	stream.linear.gather [hbm4b:s7+s3], $0x2800, $0x38;
	[tilespmem:$0x1A800] =	vst v63  }
0x11: {  	_ =	swait.ge [sflag:s14], $0x2800  }
0x12: {  	[sflag:s14] =	ssyncset.done $0x0  }
0x13: {  	[sflag:s14] =	ssyncadd.s32 $0xFFFFD800  }
0x14: {  	[tilespmem:s15], [sflag:$0x1] =	stream.linear.gather [hbm4b:s5+s3], $0x4000, $0x38;
	[tilespmem:$0x1A800] =	vst v63  }
0x15: {  	_ =	swait.ge [sflag:s14], $0x4000  }
0x16: {  	[sflag:s14] =	ssyncset.done $0x0  }
0x17: {  	[sflag:s14] =	ssyncadd.s32 $0xFFFFC000  }
0x18: {  	[spmem:s6] =	stream.linear.scatter [tilespmem:s15], [sflag:$0x1], $0x4000, $0x38;
	[tilespmem:$0x1A800] =	vst v63  }
0x19: {  	_ =	swait.ge [sflag:s14], $0x4000  }
0x1a: {  	[sflag:s14] =	ssyncset.done $0x0  }
0x1b: {  	[sflag:s14] =	ssyncadd.s32 $0xFFFFC000  }
0x1c: {  	[spmem:s8] =	stream.linear.scatter [tilespmem:s15], [sflag:$0x1], $0x4000, $0x38;
	[tilespmem:$0x1A800] =	vst v63  }
0x1d: {  	_ =	swait.ge [sflag:s14], $0x4000  }
0x1e: {  	[sflag:s14] =	ssyncset.done $0x0  }
0x1f: {  	[sflag:s14] =	ssyncadd.s32 $0xFFFFC000  }
0x20: {  	[spmem:s9] =	stream.linear.scatter [tilespmem:s15], [sflag:$0x1], $0x4000, $0x38;
	[tilespmem:$0x1A800] =	vst v63  }
0x21: {  	_ =	swait.ge [sflag:s14], $0x4000  }
0x22: {  	[sflag:s14] =	ssyncset.done $0x0  }
0x23: {  	[sflag:s14] =	ssyncadd.s32 $0xFFFFC000  }
0x24: {  	[spmem:s10] =	stream.linear.scatter [tilespmem:s15], [sflag:$0x1], $0x4000, $0x38;
	[tilespmem:$0x1A800] =	vst v63  }
0x25: {  	_ =	swait.ge [sflag:s14], $0x4000  }
0x26: {  	[sflag:s14] =	ssyncset.done $0x0  }
0x27: {  	[sflag:s14] =	ssyncadd.s32 $0xFFFFC000  }
0x28: {  	[spmem:s11] =	stream.linear.scatter [tilespmem:s15], [sflag:$0x1], $0x4000, $0x38;
	[tilespmem:$0x1A800] =	vst v63  }
0x29: {  	_ =	swait.ge [sflag:s14], $0x4000  }
0x2a: {  	[sflag:s14] =	ssyncset.done $0x0  }
0x2b: {  	[sflag:s14] =	ssyncadd.s32 $0xFFFFC000  }
0x2c: {  	[tilespmem:s15], [sflag:$0x1] =	stream.linear.gather [hbm4b:s4+s3], $0x4000, $0x38;
	[tilespmem:$0x1A800] =	vst v63  }
0x2d: {  	_ =	swait.ge [sflag:s14], $0x4000  }
0x2e: {  	[sflag:s14] =	ssyncset.done $0x0  }
0x2f: {  	[sflag:s14] =	ssyncadd.s32 $0xFFFFC000  }
0x30: {  	s20 =	simm.s32 $0x0;
	[bflag:$0x0] =	sbarrier.arrive $0xFFFF  }
0x31: {  	[spmem:s2] =	stream.indirect.scatter.add.f32 [tilespmem:s15], [sflag:$0x1], $0x80, s20, s16, $0xb8;
	[tilespmem:$0x1A800] =	vst v63  }
0x32: {  	_ =	swait.ge [sflag:s14], $0x4000  }
0x33: {  	s20 =	simm.s32 $0x200;
	[sflag:s14] =	ssyncset.done $0x0  }
.LBB2_2:
0x34: {  	s21 =	sshra.s32 s20, $0x2;
	[sflag:s14] =	ssyncadd.s32 $0xFFFFC000;
	p0 =	sne.s32 s20, $0x9E00  }
0x35: {  	[spmem:s2] =	stream.indirect.scatter.add.f32 [tilespmem:s15], [sflag:$0x1], $0x80, s21, s16, $0xb8;
	[tilespmem:$0x1A800] =	vst v63  }
.Ltmp0:
0x36: {  	_ = 	snop;
	(pc) =	sbr.rel @p0 .LBB2_2-.Ltmp0, $4  }
0x37: {  	_ = 	snop  }
0x38: {  	s20 =	sadd.s32 $0x200, s20  }
0x39: {  	_ =	swait.ge [sflag:s14], $0x4000  }
0x3a: {  	[sflag:s14] =	ssyncset.done $0x0  }
0x3b: {  	s19 =	sadd.s32 $0x1, s19  }
0x3c: {  	[sflag:s14] =	ssyncadd.s32 $0xFFFFC000;
	p0 =	sne.s32 s19, s13  }
.Ltmp1:
0x3d: {  	[bflag:$0x0] =	sbarrier.arrive $0xFFFF;
	(pc) =	sbr.rel @p0 .LBB2_1-.Ltmp1, $4  }
0x3e: {  	[hbm:s12], [sflag:s17] =	dma.local [spmem:s18], $0x2800  }
0x3f: {  	_ =	swait.ge [sflag:s14], $0x2800  }
0x40: {  	[sflag:s14] =	ssyncset.done $0x0  }
0x41: {  	[sflag:s14] =	ssyncadd.s32 $0xFFFFD800  }
0x42: {  	_ =	sfence.sel $0x180000  }
0x43: {  	[bflag:$0x0] =	sbarrier.arrive $0xFFFF  }
0x44: {  	p0 =	sne.s32 s0, $0x0;
	_ =	strace $0x90000047  }
0x45: {  	s0 =	sadd.s32 @!p0 $0x100000, s1;
	[bflag:$0x2] =	sbarrier.arrive $0xFFFF  }
0x46: {  	[sflag:s0] =	ssyncadd.tile.s32 @!p0 $0x1;
	_ =	shalt  }
.Lfunc_end2:
_tile_overlayer_lowered:
.L_overlay_start_2:
0x47: {  	(tag) =	ssettag $0x2  }
0x48: {  	s0 =	rddreg [dreg:$0x0];
	s2 =	stileid.u32  }
0x49: {  	s1 =	rddreg [dreg:$0x1];
	p0 =	sne.s32 s2, $0x0  }
0x4a: {  	s3 =	rddreg [dreg:$0x2];
	[bflag:$0x3] =	sbarrier.arrive $0xFFFF;
	s2 =	simm.s32 @!p0 $0x1C01  }
0x4b: {  	[timem:s3], [sflag:s2] =	dma.local @!p0 [hbm:s0], s1  }
0x4c: {  	s0 =	simm.s32 @!p0 $0x1  }
0x4d: {  	_ =	swait.ge @!p0 [sflag:s0], s1  }
0x4e: {  	s1 =	ssub.s32 @!p0 $0x0, s1;
	[sflag:s0] =	ssyncset.done @!p0 $0x0  }
0x4f: {  	[sflag:s0] =	ssyncadd.s32 @!p0 s1  }
0x50: {  	[bflag:$0x3] =	sbarrier.arrive $0xFFFF  }
0x51: {  	_ =	shalt  }

</sc_bundles>
